<compile_context>
chip_gen: v7x
topology: tpu7x:2x2x1
jax: 0.10.2.dev20260603
libtpu: 0.0.44.dev20260713+nightly
codegen_flags: <defaults>
</compile_context>

<pallas_src>
import functools

import jax
import jax.numpy as jnp
from jax import lax
from jax.experimental import pallas as pl
from jax.experimental.pallas import tpu as pltpu
from jax.experimental.pallas import tpu_sc as plsc

_NC, _NS, _L = 2, 16, 16
_NW = _NC * _NS


def _fold_body(emb_ref, w_ref, b_ref, t_ref):
    emb = emb_ref[:]
    rows = lax.broadcasted_iota(jnp.int32, (100, 7), 0)
    table = jnp.where(rows == 0, 0.0, emb)
    bias = b_ref[:] * 0.2
    for k in range(5):
        wk = w_ref[:, 7 * k:7 * k + 7]
        tk = lax.dot_general(table, wk, (((1,), (1,)), ((), ())),
                             preferred_element_type=jnp.float32)
        t_ref[k] = tk + bias


def _make_sc_lookup(B):
    bpw = B // _NW
    groups = bpw // _L
    mesh = plsc.VectorSubcoreMesh(core_axis_name="c", subcore_axis_name="s")

    @functools.partial(
        pl.kernel,
        mesh=mesh,
        out_type=jax.ShapeDtypeStruct((B * 5,), jnp.float32),
        compiler_params=pltpu.CompilerParams(needs_layout_passes=False),
        scratch_types=[
            pltpu.VMEM((bpw * 5,), jnp.int32),
            pltpu.VMEM((2500,), jnp.float32),
            pltpu.VMEM((bpw * 5,), jnp.float32),
            pltpu.VMEM((bpw * 5,), jnp.float32),
            pltpu.SemaphoreType.DMA,
            pltpu.SemaphoreType.DMA,
        ],
    )
    def body(x_hbm, t_hbm, out_hbm, xv, tv, ov, zv, sem_x, sem_t):
        wid = lax.axis_index("s") * _NC + lax.axis_index("c")
        base5 = wid * (bpw * 5)
        cx = pltpu.async_copy(x_hbm.at[pl.ds(base5, bpw * 5)], xv, sem_x)
        ct = pltpu.async_copy(t_hbm, tv, sem_t)
        cx.wait()
        ct.wait()
        lane5 = lax.iota(jnp.int32, 16) * 5

        @plsc.parallel_loop(0, groups, unroll=4)
        def _group(g):
            idx0 = lane5 + g * (_L * 5)
            acc = [None] * 5
            for k in range(5):
                xk = plsc.load_gather(xv, [idx0 + k])
                tb = xk * 5 + (k * 500)
                for j in range(5):
                    e = plsc.load_gather(tv, [tb + j])
                    acc[j] = e if k == 0 else acc[j] + e
            for j in range(5):
                zv[pl.ds(j * bpw + g * _L, _L)] = acc[j]

        @plsc.parallel_loop(0, 5 * groups, unroll=4)
        def _activate(c):
            g = lax.rem(c, groups)
            j = lax.div(c, groups)
            z = zv[pl.ds(c * _L, _L)]
            o = 9.0 / (1.0 + jnp.exp(-z))
            plsc.store_scatter(ov, [lane5 + (g * (_L * 5) + j)], o)
        pltpu.sync_copy(ov, out_hbm.at[pl.ds(base5, bpw * 5)])

    return body


def kernel(x, emb, W, b):
    B = x.shape[0]
    assert B % (_NW * _L) == 0
    table = emb.at[0].set(0.0)
    t = (jnp.einsum("vd,jkd->kvj", table, W.reshape(5, 5, 7))
         + b[None, None, :] / 5.0)
    out_flat = _make_sc_lookup(B)(x.reshape(-1), t.reshape(-1))
    return out_flat.reshape(B, 5)

# --- scband reference (transcript-rebuilt; emitter-appended) ---
"""Pipeline reference for scband-embedding-15960098472581 (READ-ONLY COPY).

The authoritative reference and input builder live on the scoring server;
editing this copy changes nothing except your own understanding.
"""

import jax, jax.numpy as jnp
import numpy as np


def setup_inputs(seed: int = 0) -> dict:
    key = jax.random.key(seed)
    k1, k2, k3, k4 = jax.random.split(key, 4)
    x = jax.random.randint(k1, (16384, 5), 0, 100, dtype=jnp.int32)
    emb = jax.random.normal(k2, (100, 7), dtype=jnp.float32) * 0.1
    emb = emb.at[0].set(0.0)  # padding_idx=0 row is zero
    W = jax.random.normal(k3, (5, 35), dtype=jnp.float32) * (1.0 / np.sqrt(35.0))
    b = jax.random.normal(k4, (5,), dtype=jnp.float32) * 0.01
    return {"x": x, "emb": emb, "W": W, "b": b}


def reference(x, emb, W, b):
    # nn.Embedding(100, 7, padding_idx=0): row 0 forced to zero
    table = emb.at[0].set(0.0)
    e = jnp.take(table, x, axis=0)            # [B, 5, 7]
    h = e.reshape(e.shape[0], 5 * 7)          # [B, 35]
    out = jax.nn.sigmoid(h @ W.T + b) * 9.0   # [B, 5]
    return out

if __name__ == "__main__":
    import jax
    _d = setup_inputs()
    print(jax.jit(kernel)(*tuple(_d.values())))

</pallas_src>

<mosaic_0001>
#map = affine_map<(d0, d1) -> (0)>
module attributes {stable_mosaic.version = 14 : i64} {
  func.func @body(%arg0: i32, %arg1: i32, %arg2: memref<81920xi32, #tpu.memory_space<hbm>>, %arg3: memref<2500xf32, #tpu.memory_space<hbm>>, %arg4: memref<81920xf32, #tpu.memory_space<hbm>>, %arg5: memref<2560xi32, #tpu.memory_space<vmem>>, %arg6: memref<2500xf32, #tpu.memory_space<vmem>>, %arg7: memref<2560xf32, #tpu.memory_space<vmem>>, %arg8: memref<2560xf32, #tpu.memory_space<vmem>>, %arg9: memref<!tpu.dma_semaphore, #tpu.memory_space<semaphore_mem>>, %arg10: memref<!tpu.dma_semaphore, #tpu.memory_space<semaphore_mem>>) attributes {dimension_semantics = [#tpu.dimension_semantics<core_parallel>, #tpu.dimension_semantics<subcore_parallel>], iteration_bounds = array<i64: 2, 16>, scalar_prefetch = 0 : i64, scratch_operands = 6 : i64, tpu.core_type = #tpu.core_type<sc_vector_subcore>, window_params = [{transform_indices = #map}, {transform_indices = #map}, {transform_indices = #map}]} {
    %mul3A = arith.constant 2 : i32
    %mul3A_0 = arith.muli %arg1, %mul3A : i32
    %add3A = arith.addi %mul3A_0, %arg0 : i32
    %mul3A_1 = arith.constant 2560 : i32
    %mul3A_2 = arith.muli %add3A, %mul3A_1 : i32
    %dma_start3A = tpu.memref_slice %arg2[%mul3A_2] : memref<81920xi32, #tpu.memory_space<hbm>> -> memref<2560xi32, #tpu.memory_space<hbm>>
    %dma_start3A_3 = tpu.memref_slice %arg2[%mul3A_2] : memref<81920xi32, #tpu.memory_space<hbm>> -> memref<2560xi32, #tpu.memory_space<hbm>>
    tpu.enqueue_dma source(%dma_start3A_3 : memref<2560xi32, #tpu.memory_space<hbm>>) target(%arg5 : memref<2560xi32, #tpu.memory_space<vmem>>) target_semaphore(%arg9 : memref<!tpu.dma_semaphore, #tpu.memory_space<semaphore_mem>>)
    tpu.enqueue_dma source(%arg3 : memref<2500xf32, #tpu.memory_space<hbm>>) target(%arg6 : memref<2500xf32, #tpu.memory_space<vmem>>) target_semaphore(%arg10 : memref<!tpu.dma_semaphore, #tpu.memory_space<semaphore_mem>>)
    %dma_wait3A = tpu.memref_slice %arg2[%mul3A_2] : memref<81920xi32, #tpu.memory_space<hbm>> -> memref<2560xi32, #tpu.memory_space<hbm>>
    %dma_wait3A_4 = tpu.memref_slice %arg2[%mul3A_2] : memref<81920xi32, #tpu.memory_space<hbm>> -> memref<2560xi32, #tpu.memory_space<hbm>>
    tpu.wait_dma2 semaphore(%arg9 : memref<!tpu.dma_semaphore, #tpu.memory_space<semaphore_mem>>) src(%dma_wait3A_4 : memref<2560xi32, #tpu.memory_space<hbm>>) dst(%arg5 : memref<2560xi32, #tpu.memory_space<vmem>>)
    tpu.wait_dma2 semaphore(%arg10 : memref<!tpu.dma_semaphore, #tpu.memory_space<semaphore_mem>>) src(%arg3 : memref<2500xf32, #tpu.memory_space<hbm>>) dst(%arg6 : memref<2500xf32, #tpu.memory_space<vmem>>)
    %iota3A = tpu.iota {dimensions = array<i32: 0>} : vector<16xi32>
    %mul3A_5 = arith.constant 5 : i32
    %mul3A_6 = vector.broadcast %mul3A_5 : i32 to vector<16xi32>
    %mul3A_7 = arith.muli %iota3A, %mul3A_6 : vector<16xi32>
    %parallel_loop3A = arith.constant 0 : i32
    %parallel_loop3A_8 = arith.constant 32 : i32
    %parallel_loop3A_9 = arith.constant 1 : i32
    scf.for %parallel_loop3A_13 = %parallel_loop3A to %parallel_loop3A_8 step %parallel_loop3A_9  : i32 {
      %parallel_loop3A_14 = arith.constant 80 : i32
      %parallel_loop3A_15 = arith.muli %parallel_loop3A_13, %parallel_loop3A_14 : i32
      %parallel_loop3A_16 = vector.broadcast %parallel_loop3A_15 : i32 to vector<16xi32>
      %parallel_loop3A_17 = arith.addi %mul3A_7, %parallel_loop3A_16 : vector<16xi32>
      %parallel_loop3A_18 = arith.constant 0 : i32
      %parallel_loop3A_19 = vector.broadcast %parallel_loop3A_18 : i32 to vector<16xi32>
      %parallel_loop3A_20 = arith.addi %parallel_loop3A_17, %parallel_loop3A_19 : vector<16xi32>
      %parallel_loop3A_21 = tpu.vector_load_idx %arg5[%parallel_loop3A_20] : memref<2560xi32, #tpu.memory_space<vmem>>[vector<16xi32>], vector<16xi32>,
      %parallel_loop3A_22 = arith.constant 5 : i32
      %parallel_loop3A_23 = vector.broadcast %parallel_loop3A_22 : i32 to vector<16xi32>
      %parallel_loop3A_24 = arith.muli %parallel_loop3A_21, %parallel_loop3A_23 : vector<16xi32>
      %parallel_loop3A_25 = arith.constant 0 : i32
      %parallel_loop3A_26 = vector.broadcast %parallel_loop3A_25 : i32 to vector<16xi32>
      %parallel_loop3A_27 = arith.addi %parallel_loop3A_24, %parallel_loop3A_26 : vector<16xi32>
      %parallel_loop3A_28 = arith.constant 0 : i32
      %parallel_loop3A_29 = vector.broadcast %parallel_loop3A_28 : i32 to vector<16xi32>
      %parallel_loop3A_30 = arith.addi %parallel_loop3A_27, %parallel_loop3A_29 : vector<16xi32>
      %parallel_loop3A_31 = tpu.vector_load_idx %arg6[%parallel_loop3A_30] : memref<2500xf32, #tpu.memory_space<vmem>>[vector<16xi32>], vector<16xf32>,
      %parallel_loop3A_32 = arith.constant 1 : i32
      %parallel_loop3A_33 = vector.broadcast %parallel_loop3A_32 : i32 to vector<16xi32>
      %parallel_loop3A_34 = arith.addi %parallel_loop3A_27, %parallel_loop3A_33 : vector<16xi32>
      %parallel_loop3A_35 = tpu.vector_load_idx %arg6[%parallel_loop3A_34] : memref<2500xf32, #tpu.memory_space<vmem>>[vector<16xi32>], vector<16xf32>,
      %parallel_loop3A_36 = arith.constant 2 : i32
      %parallel_loop3A_37 = vector.broadcast %parallel_loop3A_36 : i32 to vector<16xi32>
      %parallel_loop3A_38 = arith.addi %parallel_loop3A_27, %parallel_loop3A_37 : vector<16xi32>
      %parallel_loop3A_39 = tpu.vector_load_idx %arg6[%parallel_loop3A_38] : memref<2500xf32, #tpu.memory_space<vmem>>[vector<16xi32>], vector<16xf32>,
      %parallel_loop3A_40 = arith.constant 3 : i32
      %parallel_loop3A_41 = vector.broadcast %parallel_loop3A_40 : i32 to vector<16xi32>
      %parallel_loop3A_42 = arith.addi %parallel_loop3A_27, %parallel_loop3A_41 : vector<16xi32>
      %parallel_loop3A_43 = tpu.vector_load_idx %arg6[%parallel_loop3A_42] : memref<2500xf32, #tpu.memory_space<vmem>>[vector<16xi32>], vector<16xf32>,
      %parallel_loop3A_44 = arith.constant 4 : i32
      %parallel_loop3A_45 = vector.broadcast %parallel_loop3A_44 : i32 to vector<16xi32>
      %parallel_loop3A_46 = arith.addi %parallel_loop3A_27, %parallel_loop3A_45 : vector<16xi32>
      %parallel_loop3A_47 = tpu.vector_load_idx %arg6[%parallel_loop3A_46] : memref<2500xf32, #tpu.memory_space<vmem>>[vector<16xi32>], vector<16xf32>,
      %parallel_loop3A_48 = arith.constant 1 : i32
      %parallel_loop3A_49 = vector.broadcast %parallel_loop3A_48 : i32 to vector<16xi32>
      %parallel_loop3A_50 = arith.addi %parallel_loop3A_17, %parallel_loop3A_49 : vector<16xi32>
      %parallel_loop3A_51 = tpu.vector_load_idx %arg5[%parallel_loop3A_50] : memref<2560xi32, #tpu.memory_space<vmem>>[vector<16xi32>], vector<16xi32>,
      %parallel_loop3A_52 = arith.constant 5 : i32
      %parallel_loop3A_53 = vector.broadcast %parallel_loop3A_52 : i32 to vector<16xi32>
      %parallel_loop3A_54 = arith.muli %parallel_loop3A_51, %parallel_loop3A_53 : vector<16xi32>
      %parallel_loop3A_55 = arith.constant 500 : i32
      %parallel_loop3A_56 = vector.broadcast %parallel_loop3A_55 : i32 to vector<16xi32>
      %parallel_loop3A_57 = arith.addi %parallel_loop3A_54, %parallel_loop3A_56 : vector<16xi32>
      %parallel_loop3A_58 = arith.constant 0 : i32
      %parallel_loop3A_59 = vector.broadcast %parallel_loop3A_58 : i32 to vector<16xi32>
      %parallel_loop3A_60 = arith.addi %parallel_loop3A_57, %parallel_loop3A_59 : vector<16xi32>
      %parallel_loop3A_61 = tpu.vector_load_idx %arg6[%parallel_loop3A_60] : memref<2500xf32, #tpu.memory_space<vmem>>[vector<16xi32>], vector<16xf32>,
      %parallel_loop3A_62 = arith.addf %parallel_loop3A_31, %parallel_loop3A_61 : vector<16xf32>
      %parallel_loop3A_63 = arith.constant 1 : i32
      %parallel_loop3A_64 = vector.broadcast %parallel_loop3A_63 : i32 to vector<16xi32>
      %parallel_loop3A_65 = arith.addi %parallel_loop3A_57, %parallel_loop3A_64 : vector<16xi32>
      %parallel_loop3A_66 = tpu.vector_load_idx %arg6[%parallel_loop3A_65] : memref<2500xf32, #tpu.memory_space<vmem>>[vector<16xi32>], vector<16xf32>,
      %parallel_loop3A_67 = arith.addf %parallel_loop3A_35, %parallel_loop3A_66 : vector<16xf32>
      %parallel_loop3A_68 = arith.constant 2 : i32
      %parallel_loop3A_69 = vector.broadcast %parallel_loop3A_68 : i32 to vector<16xi32>
      %parallel_loop3A_70 = arith.addi %parallel_loop3A_57, %parallel_loop3A_69 : vector<16xi32>
      %parallel_loop3A_71 = tpu.vector_load_idx %arg6[%parallel_loop3A_70] : memref<2500xf32, #tpu.memory_space<vmem>>[vector<16xi32>], vector<16xf32>,
      %parallel_loop3A_72 = arith.addf %parallel_loop3A_39, %parallel_loop3A_71 : vector<16xf32>
      %parallel_loop3A_73 = arith.constant 3 : i32
      %parallel_loop3A_74 = vector.broadcast %parallel_loop3A_73 : i32 to vector<16xi32>
      %parallel_loop3A_75 = arith.addi %parallel_loop3A_57, %parallel_loop3A_74 : vector<16xi32>
      %parallel_loop3A_76 = tpu.vector_load_idx %arg6[%parallel_loop3A_75] : memref<2500xf32, #tpu.memory_space<vmem>>[vector<16xi32>], vector<16xf32>,
      %parallel_loop3A_77 = arith.addf %parallel_loop3A_43, %parallel_loop3A_76 : vector<16xf32>
      %parallel_loop3A_78 = arith.constant 4 : i32
      %parallel_loop3A_79 = vector.broadcast %parallel_loop3A_78 : i32 to vector<16xi32>
      %parallel_loop3A_80 = arith.addi %parallel_loop3A_57, %parallel_loop3A_79 : vector<16xi32>
      %parallel_loop3A_81 = tpu.vector_load_idx %arg6[%parallel_loop3A_80] : memref<2500xf32, #tpu.memory_space<vmem>>[vector<16xi32>], vector<16xf32>,
      %parallel_loop3A_82 = arith.addf %parallel_loop3A_47, %parallel_loop3A_81 : vector<16xf32>
      %parallel_loop3A_83 = arith.constant 2 : i32
      %parallel_loop3A_84 = vector.broadcast %parallel_loop3A_83 : i32 to vector<16xi32>
      %parallel_loop3A_85 = arith.addi %parallel_loop3A_17, %parallel_loop3A_84 : vector<16xi32>
      %parallel_loop3A_86 = tpu.vector_load_idx %arg5[%parallel_loop3A_85] : memref<2560xi32, #tpu.memory_space<vmem>>[vector<16xi32>], vector<16xi32>,
      %parallel_loop3A_87 = arith.constant 5 : i32
      %parallel_loop3A_88 = vector.broadcast %parallel_loop3A_87 : i32 to vector<16xi32>
      %parallel_loop3A_89 = arith.muli %parallel_loop3A_86, %parallel_loop3A_88 : vector<16xi32>
      %parallel_loop3A_90 = arith.constant 1000 : i32
      %parallel_loop3A_91 = vector.broadcast %parallel_loop3A_90 : i32 to vector<16xi32>
      %parallel_loop3A_92 = arith.addi %parallel_loop3A_89, %parallel_loop3A_91 : vector<16xi32>
      %parallel_loop3A_93 = arith.constant 0 : i32
      %parallel_loop3A_94 = vector.broadcast %parallel_loop3A_93 : i32 to vector<16xi32>
      %parallel_loop3A_95 = arith.addi %parallel_loop3A_92, %parallel_loop3A_94 : vector<16xi32>
      %parallel_loop3A_96 = tpu.vector_load_idx %arg6[%parallel_loop3A_95] : memref<2500xf32, #tpu.memory_space<vmem>>[vector<16xi32>], vector<16xf32>,
      %parallel_loop3A_97 = arith.addf %parallel_loop3A_62, %parallel_loop3A_96 : vector<16xf32>
      %parallel_loop3A_98 = arith.constant 1 : i32
      %parallel_loop3A_99 = vector.broadcast %parallel_loop3A_98 : i32 to vector<16xi32>
      %parallel_loop3A_100 = arith.addi %parallel_loop3A_92, %parallel_loop3A_99 : vector<16xi32>
      %parallel_loop3A_101 = tpu.vector_load_idx %arg6[%parallel_loop3A_100] : memref<2500xf32, #tpu.memory_space<vmem>>[vector<16xi32>], vector<16xf32>,
      %parallel_loop3A_102 = arith.addf %parallel_loop3A_67, %parallel_loop3A_101 : vector<16xf32>
      %parallel_loop3A_103 = arith.constant 2 : i32
      %parallel_loop3A_104 = vector.broadcast %parallel_loop3A_103 : i32 to vector<16xi32>
      %parallel_loop3A_105 = arith.addi %parallel_loop3A_92, %parallel_loop3A_104 : vector<16xi32>
      %parallel_loop3A_106 = tpu.vector_load_idx %arg6[%parallel_loop3A_105] : memref<2500xf32, #tpu.memory_space<vmem>>[vector<16xi32>], vector<16xf32>,
      %parallel_loop3A_107 = arith.addf %parallel_loop3A_72, %parallel_loop3A_106 : vector<16xf32>
      %parallel_loop3A_108 = arith.constant 3 : i32
      %parallel_loop3A_109 = vector.broadcast %parallel_loop3A_108 : i32 to vector<16xi32>
      %parallel_loop3A_110 = arith.addi %parallel_loop3A_92, %parallel_loop3A_109 : vector<16xi32>
      %parallel_loop3A_111 = tpu.vector_load_idx %arg6[%parallel_loop3A_110] : memref<2500xf32, #tpu.memory_space<vmem>>[vector<16xi32>], vector<16xf32>,
      %parallel_loop3A_112 = arith.addf %parallel_loop3A_77, %parallel_loop3A_111 : vector<16xf32>
      %parallel_loop3A_113 = arith.constant 4 : i32
      %parallel_loop3A_114 = vector.broadcast %parallel_loop3A_113 : i32 to vector<16xi32>
      %parallel_loop3A_115 = arith.addi %parallel_loop3A_92, %parallel_loop3A_114 : vector<16xi32>
      %parallel_loop3A_116 = tpu.vector_load_idx %arg6[%parallel_loop3A_115] : memref<2500xf32, #tpu.memory_space<vmem>>[vector<16xi32>], vector<16xf32>,
      %parallel_loop3A_117 = arith.addf %parallel_loop3A_82, %parallel_loop3A_116 : vector<16xf32>
      %parallel_loop3A_118 = arith.constant 3 : i32
      %parallel_loop3A_119 = vector.broadcast %parallel_loop3A_118 : i32 to vector<16xi32>
      %parallel_loop3A_120 = arith.addi %parallel_loop3A_17, %parallel_loop3A_119 : vector<16xi32>
      %parallel_loop3A_121 = tpu.vector_load_idx %arg5[%parallel_loop3A_120] : memref<2560xi32, #tpu.memory_space<vmem>>[vector<16xi32>], vector<16xi32>,
      %parallel_loop3A_122 = arith.constant 5 : i32
      %parallel_loop3A_123 = vector.broadcast %parallel_loop3A_122 : i32 to vector<16xi32>
      %parallel_loop3A_124 = arith.muli %parallel_loop3A_121, %parallel_loop3A_123 : vector<16xi32>
      %parallel_loop3A_125 = arith.constant 1500 : i32
      %parallel_loop3A_126 = vector.broadcast %parallel_loop3A_125 : i32 to vector<16xi32>
      %parallel_loop3A_127 = arith.addi %parallel_loop3A_124, %parallel_loop3A_126 : vector<16xi32>
      %parallel_loop3A_128 = arith.constant 0 : i32
      %parallel_loop3A_129 = vector.broadcast %parallel_loop3A_128 : i32 to vector<16xi32>
      %parallel_loop3A_130 = arith.addi %parallel_loop3A_127, %parallel_loop3A_129 : vector<16xi32>
      %parallel_loop3A_131 = tpu.vector_load_idx %arg6[%parallel_loop3A_130] : memref<2500xf32, #tpu.memory_space<vmem>>[vector<16xi32>], vector<16xf32>,
      %parallel_loop3A_132 = arith.addf %parallel_loop3A_97, %parallel_loop3A_131 : vector<16xf32>
      %parallel_loop3A_133 = arith.constant 1 : i32
      %parallel_loop3A_134 = vector.broadcast %parallel_loop3A_133 : i32 to vector<16xi32>
      %parallel_loop3A_135 = arith.addi %parallel_loop3A_127, %parallel_loop3A_134 : vector<16xi32>
      %parallel_loop3A_136 = tpu.vector_load_idx %arg6[%parallel_loop3A_135] : memref<2500xf32, #tpu.memory_space<vmem>>[vector<16xi32>], vector<16xf32>,
      %parallel_loop3A_137 = arith.addf %parallel_loop3A_102, %parallel_loop3A_136 : vector<16xf32>
      %parallel_loop3A_138 = arith.constant 2 : i32
      %parallel_loop3A_139 = vector.broadcast %parallel_loop3A_138 : i32 to vector<16xi32>
      %parallel_loop3A_140 = arith.addi %parallel_loop3A_127, %parallel_loop3A_139 : vector<16xi32>
      %parallel_loop3A_141 = tpu.vector_load_idx %arg6[%parallel_loop3A_140] : memref<2500xf32, #tpu.memory_space<vmem>>[vector<16xi32>], vector<16xf32>,
      %parallel_loop3A_142 = arith.addf %parallel_loop3A_107, %parallel_loop3A_141 : vector<16xf32>
      %parallel_loop3A_143 = arith.constant 3 : i32
      %parallel_loop3A_144 = vector.broadcast %parallel_loop3A_143 : i32 to vector<16xi32>
      %parallel_loop3A_145 = arith.addi %parallel_loop3A_127, %parallel_loop3A_144 : vector<16xi32>
      %parallel_loop3A_146 = tpu.vector_load_idx %arg6[%parallel_loop3A_145] : memref<2500xf32, #tpu.memory_space<vmem>>[vector<16xi32>], vector<16xf32>,
      %parallel_loop3A_147 = arith.addf %parallel_loop3A_112, %parallel_loop3A_146 : vector<16xf32>
      %parallel_loop3A_148 = arith.constant 4 : i32
      %parallel_loop3A_149 = vector.broadcast %parallel_loop3A_148 : i32 to vector<16xi32>
      %parallel_loop3A_150 = arith.addi %parallel_loop3A_127, %parallel_loop3A_149 : vector<16xi32>
      %parallel_loop3A_151 = tpu.vector_load_idx %arg6[%parallel_loop3A_150] : memref<2500xf32, #tpu.memory_space<vmem>>[vector<16xi32>], vector<16xf32>,
      %parallel_loop3A_152 = arith.addf %parallel_loop3A_117, %parallel_loop3A_151 : vector<16xf32>
      %parallel_loop3A_153 = arith.constant 4 : i32
      %parallel_loop3A_154 = vector.broadcast %parallel_loop3A_153 : i32 to vector<16xi32>
      %parallel_loop3A_155 = arith.addi %parallel_loop3A_17, %parallel_loop3A_154 : vector<16xi32>
      %parallel_loop3A_156 = tpu.vector_load_idx %arg5[%parallel_loop3A_155] : memref<2560xi32, #tpu.memory_space<vmem>>[vector<16xi32>], vector<16xi32>,
      %parallel_loop3A_157 = arith.constant 5 : i32
      %parallel_loop3A_158 = vector.broadcast %parallel_loop3A_157 : i32 to vector<16xi32>
      %parallel_loop3A_159 = arith.muli %parallel_loop3A_156, %parallel_loop3A_158 : vector<16xi32>
      %parallel_loop3A_160 = arith.constant 2000 : i32
      %parallel_loop3A_161 = vector.broadcast %parallel_loop3A_160 : i32 to vector<16xi32>
      %parallel_loop3A_162 = arith.addi %parallel_loop3A_159, %parallel_loop3A_161 : vector<16xi32>
      %parallel_loop3A_163 = arith.constant 0 : i32
      %parallel_loop3A_164 = vector.broadcast %parallel_loop3A_163 : i32 to vector<16xi32>
      %parallel_loop3A_165 = arith.addi %parallel_loop3A_162, %parallel_loop3A_164 : vector<16xi32>
      %parallel_loop3A_166 = tpu.vector_load_idx %arg6[%parallel_loop3A_165] : memref<2500xf32, #tpu.memory_space<vmem>>[vector<16xi32>], vector<16xf32>,
      %parallel_loop3A_167 = arith.addf %parallel_loop3A_132, %parallel_loop3A_166 : vector<16xf32>
      %parallel_loop3A_168 = arith.constant 1 : i32
      %parallel_loop3A_169 = vector.broadcast %parallel_loop3A_168 : i32 to vector<16xi32>
      %parallel_loop3A_170 = arith.addi %parallel_loop3A_162, %parallel_loop3A_169 : vector<16xi32>
      %parallel_loop3A_171 = tpu.vector_load_idx %arg6[%parallel_loop3A_170] : memref<2500xf32, #tpu.memory_space<vmem>>[vector<16xi32>], vector<16xf32>,
      %parallel_loop3A_172 = arith.addf %parallel_loop3A_137, %parallel_loop3A_171 : vector<16xf32>
      %parallel_loop3A_173 = arith.constant 2 : i32
      %parallel_loop3A_174 = vector.broadcast %parallel_loop3A_173 : i32 to vector<16xi32>
      %parallel_loop3A_175 = arith.addi %parallel_loop3A_162, %parallel_loop3A_174 : vector<16xi32>
      %parallel_loop3A_176 = tpu.vector_load_idx %arg6[%parallel_loop3A_175] : memref<2500xf32, #tpu.memory_space<vmem>>[vector<16xi32>], vector<16xf32>,
      %parallel_loop3A_177 = arith.addf %parallel_loop3A_142, %parallel_loop3A_176 : vector<16xf32>
      %parallel_loop3A_178 = arith.constant 3 : i32
      %parallel_loop3A_179 = vector.broadcast %parallel_loop3A_178 : i32 to vector<16xi32>
      %parallel_loop3A_180 = arith.addi %parallel_loop3A_162, %parallel_loop3A_179 : vector<16xi32>
      %parallel_loop3A_181 = tpu.vector_load_idx %arg6[%parallel_loop3A_180] : memref<2500xf32, #tpu.memory_space<vmem>>[vector<16xi32>], vector<16xf32>,
      %parallel_loop3A_182 = arith.addf %parallel_loop3A_147, %parallel_loop3A_181 : vector<16xf32>
      %parallel_loop3A_183 = arith.constant 4 : i32
      %parallel_loop3A_184 = vector.broadcast %parallel_loop3A_183 : i32 to vector<16xi32>
      %parallel_loop3A_185 = arith.addi %parallel_loop3A_162, %parallel_loop3A_184 : vector<16xi32>
      %parallel_loop3A_186 = tpu.vector_load_idx %arg6[%parallel_loop3A_185] : memref<2500xf32, #tpu.memory_space<vmem>>[vector<16xi32>], vector<16xf32>,
      %parallel_loop3A_187 = arith.addf %parallel_loop3A_152, %parallel_loop3A_186 : vector<16xf32>
      %parallel_loop3A_188 = arith.constant 16 : i32
      %parallel_loop3A_189 = arith.muli %parallel_loop3A_13, %parallel_loop3A_188 : i32
      %parallel_loop3A_190 = arith.constant 0 : i32
      %parallel_loop3A_191 = arith.addi %parallel_loop3A_190, %parallel_loop3A_189 : i32
      %parallel_loop3A_192 = arith.index_cast %parallel_loop3A_191 : i32 to index
      %parallel_loop3A_193 = tpu.vector_load %arg8[%parallel_loop3A_192] {strides = array<i32>} : memref<2560xf32, #tpu.memory_space<vmem>>, vector<16xf32>,
      tpu.vector_store %arg8[%parallel_loop3A_192], %parallel_loop3A_167 {strides = array<i32>} : memref<2560xf32, #tpu.memory_space<vmem>>, vector<16xf32>,
      %parallel_loop3A_194 = arith.constant 16 : i32
      %parallel_loop3A_195 = arith.muli %parallel_loop3A_13, %parallel_loop3A_194 : i32
      %parallel_loop3A_196 = arith.constant 512 : i32
      %parallel_loop3A_197 = arith.addi %parallel_loop3A_196, %parallel_loop3A_195 : i32
      %parallel_loop3A_198 = arith.index_cast %parallel_loop3A_197 : i32 to index
      %parallel_loop3A_199 = tpu.vector_load %arg8[%parallel_loop3A_198] {strides = array<i32>} : memref<2560xf32, #tpu.memory_space<vmem>>, vector<16xf32>,
      tpu.vector_store %arg8[%parallel_loop3A_198], %parallel_loop3A_172 {strides = array<i32>} : memref<2560xf32, #tpu.memory_space<vmem>>, vector<16xf32>,
      %parallel_loop3A_200 = arith.constant 16 : i32
      %parallel_loop3A_201 = arith.muli %parallel_loop3A_13, %parallel_loop3A_200 : i32
      %parallel_loop3A_202 = arith.constant 1024 : i32
      %parallel_loop3A_203 = arith.addi %parallel_loop3A_202, %parallel_loop3A_201 : i32
      %parallel_loop3A_204 = arith.index_cast %parallel_loop3A_203 : i32 to index
      %parallel_loop3A_205 = tpu.vector_load %arg8[%parallel_loop3A_204] {strides = array<i32>} : memref<2560xf32, #tpu.memory_space<vmem>>, vector<16xf32>,
      tpu.vector_store %arg8[%parallel_loop3A_204], %parallel_loop3A_177 {strides = array<i32>} : memref<2560xf32, #tpu.memory_space<vmem>>, vector<16xf32>,
      %parallel_loop3A_206 = arith.constant 16 : i32
      %parallel_loop3A_207 = arith.muli %parallel_loop3A_13, %parallel_loop3A_206 : i32
      %parallel_loop3A_208 = arith.constant 1536 : i32
      %parallel_loop3A_209 = arith.addi %parallel_loop3A_208, %parallel_loop3A_207 : i32
      %parallel_loop3A_210 = arith.index_cast %parallel_loop3A_209 : i32 to index
      %parallel_loop3A_211 = tpu.vector_load %arg8[%parallel_loop3A_210] {strides = array<i32>} : memref<2560xf32, #tpu.memory_space<vmem>>, vector<16xf32>,
      tpu.vector_store %arg8[%parallel_loop3A_210], %parallel_loop3A_182 {strides = array<i32>} : memref<2560xf32, #tpu.memory_space<vmem>>, vector<16xf32>,
      %parallel_loop3A_212 = arith.constant 16 : i32
      %parallel_loop3A_213 = arith.muli %parallel_loop3A_13, %parallel_loop3A_212 : i32
      %parallel_loop3A_214 = arith.constant 2048 : i32
      %parallel_loop3A_215 = arith.addi %parallel_loop3A_214, %parallel_loop3A_213 : i32
      %parallel_loop3A_216 = arith.index_cast %parallel_loop3A_215 : i32 to index
      %parallel_loop3A_217 = tpu.vector_load %arg8[%parallel_loop3A_216] {strides = array<i32>} : memref<2560xf32, #tpu.memory_space<vmem>>, vector<16xf32>,
      tpu.vector_store %arg8[%parallel_loop3A_216], %parallel_loop3A_187 {strides = array<i32>} : memref<2560xf32, #tpu.memory_space<vmem>>, vector<16xf32>,
    } {sc.loop_unroll_factor = 4 : i64, sc.parallel_access}
    %parallel_loop3A_10 = arith.constant 0 : i32
    %parallel_loop3A_11 = arith.constant 160 : i32
    %parallel_loop3A_12 = arith.constant 1 : i32
    scf.for %parallel_loop3A_13 = %parallel_loop3A_10 to %parallel_loop3A_11 step %parallel_loop3A_12  : i32 {
      %parallel_loop3A_14 = arith.constant 32 : i32
      %parallel_loop3A_15 = arith.remsi %parallel_loop3A_13, %parallel_loop3A_14 : i32
      %parallel_loop3A_16 = arith.constant 32 : i32
      %parallel_loop3A_17 = arith.divsi %parallel_loop3A_13, %parallel_loop3A_16 : i32
      %parallel_loop3A_18 = arith.constant 16 : i32
      %parallel_loop3A_19 = arith.muli %parallel_loop3A_13, %parallel_loop3A_18 : i32
      %parallel_loop3A_20 = arith.index_cast %parallel_loop3A_19 : i32 to index
      %parallel_loop3A_21 = tpu.vector_load %arg8[%parallel_loop3A_20] {strides = array<i32>} : memref<2560xf32, #tpu.memory_space<vmem>>, vector<16xf32>,
      %parallel_loop3A_22 = arith.constant 0.000000e+00 : f32
      %parallel_loop3A_23 = vector.broadcast %parallel_loop3A_22 : f32 to vector<16xf32>
      %parallel_loop3A_24 = arith.subf %parallel_loop3A_23, %parallel_loop3A_21 : vector<16xf32>
      %parallel_loop3A_25 = math.exp %parallel_loop3A_24 : vector<16xf32>
      %parallel_loop3A_26 = arith.constant 1.000000e+00 : f32
      %parallel_loop3A_27 = vector.broadcast %parallel_loop3A_26 : f32 to vector<16xf32>
      %parallel_loop3A_28 = arith.addf %parallel_loop3A_27, %parallel_loop3A_25 : vector<16xf32>
      %parallel_loop3A_29 = arith.constant 9.000000e+00 : f32
      %parallel_loop3A_30 = vector.broadcast %parallel_loop3A_29 : f32 to vector<16xf32>
      %parallel_loop3A_31 = arith.divf %parallel_loop3A_30, %parallel_loop3A_28 : vector<16xf32>
      %parallel_loop3A_32 = arith.constant 80 : i32
      %parallel_loop3A_33 = arith.muli %parallel_loop3A_15, %parallel_loop3A_32 : i32
      %parallel_loop3A_34 = arith.addi %parallel_loop3A_33, %parallel_loop3A_17 : i32
      %parallel_loop3A_35 = vector.broadcast %parallel_loop3A_34 : i32 to vector<16xi32>
      %parallel_loop3A_36 = arith.addi %mul3A_7, %parallel_loop3A_35 : vector<16xi32>
      tpu.vector_store_idx %arg7[%parallel_loop3A_36], %parallel_loop3A_31 : memref<2560xf32, #tpu.memory_space<vmem>>[vector<16xi32>], vector<16xf32>,
    } {sc.loop_unroll_factor = 4 : i64, sc.parallel_access}
    "tpu.region"() ({
      %run_scoped3A = tpu.sem_alloc : memref<!tpu.dma_semaphore, #tpu.memory_space<semaphore_mem>>
      %dma_start3A_13 = tpu.memref_slice %arg4[%mul3A_2] : memref<81920xf32, #tpu.memory_space<hbm>> -> memref<2560xf32, #tpu.memory_space<hbm>>
      %dma_start3A_14 = tpu.memref_slice %arg4[%mul3A_2] : memref<81920xf32, #tpu.memory_space<hbm>> -> memref<2560xf32, #tpu.memory_space<hbm>>
      tpu.enqueue_dma source(%arg7 : memref<2560xf32, #tpu.memory_space<vmem>>) target(%dma_start3A_14 : memref<2560xf32, #tpu.memory_space<hbm>>) target_semaphore(%run_scoped3A : memref<!tpu.dma_semaphore, #tpu.memory_space<semaphore_mem>>)
      %dma_wait3A_15 = tpu.memref_slice %arg4[%mul3A_2] : memref<81920xf32, #tpu.memory_space<hbm>> -> memref<2560xf32, #tpu.memory_space<hbm>>
      %dma_wait3A_16 = tpu.memref_slice %arg4[%mul3A_2] : memref<81920xf32, #tpu.memory_space<hbm>> -> memref<2560xf32, #tpu.memory_space<hbm>>
      tpu.wait_dma2 semaphore(%run_scoped3A : memref<!tpu.dma_semaphore, #tpu.memory_space<semaphore_mem>>) src(%arg7 : memref<2560xf32, #tpu.memory_space<vmem>>) dst(%dma_wait3A_16 : memref<2560xf32, #tpu.memory_space<hbm>>)
      tpu.yield
    }) : () -> ()
    return
  }
}

</mosaic_0001>

<sc_bundles>
// kernel: kernel.3.cloned.1.call-start
scs
__scs_entry_jumppad:
0x0: {  	(pc) =	sbr.rel $0x88, $3  }
0x1: {  	(tag) =	ssettag $0x0;
	lr =	simm.s32 $0x1  }
0x2: {  	[smem:$0x3F9D] =	sst lr;
	_ =	strace $0xD0000000  }
0x3: {  	_ = 	snop  }
0x4: {  	_ = 	snop  }
0x5: {  	_ = 	snop  }
0x6: {  	_ = 	snop  }
0x7: {  	_ = 	snop  }
__scs_overlays_trampoline_lowered:
0x8: {  	[smem:$0x3FAC] =	sst s0  }
0x9: {  	[smem:$0x3FAD] =	sst s1  }
0xa: {  	[smem:$0x3FAE] =	sst s2  }
0xb: {  	[smem:$0x3FAF] =	sst s3  }
0xc: {  	[smem:$0x3FB0] =	sst s4  }
0xd: {  	[smem:$0x3FB1] =	sst s5  }
0xe: {  	[smem:$0x3FB2] =	sst s6  }
0xf: {  	[smem:$0x3FB3] =	sst s7  }
0x10: {  	[smem:$0x3FB4] =	sst s8  }
0x11: {  	[smem:$0x3FB5] =	sst s9;
	s0 =	simm.s32 @!p0 $0x0  }
0x12: {  	s1 =	sld [smem:$0x3F9B];
	s0 =	simm.s32 @p0 $0x1  }
0x13: {  	[smem:$0x3FB6] =	sst s0;
	s0 =	simm.s32 @!p1 $0x0  }
0x14: {  	s2 =	sld [smem:$0x3F9A];
	s0 =	simm.s32 @p1 $0x1  }
0x15: {  	[smem:$0x3FB7] =	sst s0;
	s0 =	simm.s32 @!p2 $0x0  }
0x16: {  	s3 =	sld [smem:$0x3FDB];
	s0 =	simm.s32 @p2 $0x1  }
0x17: {  	s4 =	simm.s32 $0x1BF5;
	[smem:$0x3FB9] =	sst s0  }
0x18: {  	s0 =	sld [smem:$0x3F9C];
	_ =	swait.ge [sflag:s4], $0x0  }
0x19: {  	s7 =	sld [smem:$0x3F9D]  }
0x1a: {  	s8 =	sadd.s32 $0xFFFFE003, lr  }
0x1b: {  	s9 =	sadd.s32 $0xFFFFFEF7, lr;
	s5 =	simm.s32 $0xFFFFFFFF;
	p2 =	slt.u32 s8, $0xFFFFF086  }
0x1c: {  	p1 =	slt.u32 s9, $0xF7A;
	s5 =	simm.s32 @!p2 $0x0  }
0x1d: {  	s5 =	simm.s32 @p1 $0x1;
	p0 =	seq.s32 s7, s2  }
0x1e: {  	s7 =	smul.u32 @!p0 $0xF7A, s2;
	p2 =	seq.s32 @!p0 s5, $0x0  }
0x1f: {  	s9 =	smul.u32 $0xF7A, s1;
	s8 =	simm.s32 @!p0 $0x1BF5;
	p2 =	por !p2, p0  }
0x20: {  	[sflag:s8] =	ssyncset.s32 @!p0 $0xFFFFF086;
	s6 =	sadd.s32 @!p0 s3, s7;
	s7 =	simm.s32 @!p0 $0x108  }
0x21: {  	s3 =	sadd.s32 s3, s9;
	s6 =	sadd.s32 @!p0 $0x88, s6;
	s7 =	simm.s32 @p2 $0x1082  }
0x22: {  	[simem:s7], [sflag:s8] =	dma.local @!p0 [hbm:s6], $0xF7A  }
0x23: {  	s9 =	sor.u32 $0xD0000000, s2;
	s6 =	simm.s32 $0x108;
	_ =	swait.ge @!p0 [sflag:s8], $0x0  }
0x24: {  	s3 =	sadd.s32 $0x88, s3;
	s6 =	simm.s32 @!p1 $0x1082;
	[sflag:s4] =	ssyncset.s32 $0xFFFFF086  }
0x25: {  	[simem:s6], [sflag:s4] =	dma.local [hbm:s3], $0xF7A  }
0x26: {  	[smem:$0x3F9D] =	sst s1;
	(tag) =	ssettag s2;
	_ =	strace s9  }
0x27: {  	s1 =	sld [smem:$0x3FAD]  }
0x28: {  	s2 =	sld [smem:$0x3FAE]  }
0x29: {  	s4 =	sld [smem:$0x3FB0]  }
0x2a: {  	p0 =	seq.s32 s5, $0x0;
	s5 =	sld [smem:$0x3FB1]  }
0x2b: {  	s6 =	sld [smem:$0x3FB2]  }
0x2c: {  	s7 =	sld [smem:$0x3FB3]  }
0x2d: {  	s3 =	simm.s32 $0x108;
	s8 =	sld [smem:$0x3FB4]  }
0x2e: {  	s3 =	simm.s32 @!p0 $0x1082;
	s9 =	sld [smem:$0x3FB5]  }
0x2f: {  	lr =	sadd.s32 s0, s3;
	s0 =	sld [smem:$0x3FAC]  }
0x30: {  	s3 =	sld [smem:$0x3FAF]  }
0x31: {  	[smem:$0x3FB8] =	sst s10  }
0x32: {  	s10 =	sld [smem:$0x3FB6];
	_ =	sdelay $0x3  }
0x33: {  	p0 =	seq.s32 s10, $0x1;
	s10 =	sld [smem:$0x3FB8];
	_ =	sdelay $0x3  }
0x34: {  	[smem:$0x3FB8] =	sst s10  }
0x35: {  	s10 =	sld [smem:$0x3FB7];
	_ =	sdelay $0x3  }
0x36: {  	p1 =	seq.s32 s10, $0x1;
	s10 =	sld [smem:$0x3FB8];
	_ =	sdelay $0x3  }
0x37: {  	[smem:$0x3FB8] =	sst s10  }
0x38: {  	s10 =	sld [smem:$0x3FB9]  }
0x39: {  	_ = 	snop;
	(pc) =	sbr.ind lr, $3  }
0x3a: {  	_ = 	snop  }
0x3b: {  	_ = 	snop  }
0x3c: {  	p2 =	seq.s32 s10, $0x1;
	s10 =	sld [smem:$0x3FB8]  }
0x3d: {  	_ =	shalt  }
0x3e: {  	_ =	shalt  }
0x3f: {  	_ =	shalt  }
0x40: {  	_ =	shalt  }
0x41: {  	_ =	shalt  }
0x42: {  	_ =	shalt  }
0x43: {  	_ =	shalt  }
0x44: {  	_ =	shalt  }
0x45: {  	_ =	shalt  }
0x46: {  	_ =	shalt  }
0x47: {  	_ =	shalt  }
0x48: {  	_ =	shalt  }
0x49: {  	_ =	shalt  }
0x4a: {  	_ =	shalt  }
0x4b: {  	_ =	shalt  }
0x4c: {  	_ =	shalt  }
0x4d: {  	_ =	shalt  }
0x4e: {  	_ =	shalt  }
0x4f: {  	_ =	shalt  }
0x50: {  	_ =	shalt  }
0x51: {  	_ =	shalt  }
0x52: {  	_ =	shalt  }
0x53: {  	_ =	shalt  }
0x54: {  	_ =	shalt  }
0x55: {  	_ =	shalt  }
0x56: {  	_ =	shalt  }
0x57: {  	_ =	shalt  }
0x58: {  	_ =	shalt  }
0x59: {  	_ =	shalt  }
0x5a: {  	_ =	shalt  }
0x5b: {  	_ =	shalt  }
0x5c: {  	_ =	shalt  }
0x5d: {  	_ =	shalt  }
0x5e: {  	_ =	shalt  }
0x5f: {  	_ =	shalt  }
0x60: {  	_ =	shalt  }
0x61: {  	_ =	shalt  }
0x62: {  	_ =	shalt  }
0x63: {  	_ =	shalt  }
0x64: {  	_ =	shalt  }
0x65: {  	_ =	shalt  }
0x66: {  	_ =	shalt  }
0x67: {  	_ =	shalt  }
0x68: {  	_ =	shalt  }
0x69: {  	_ =	shalt  }
0x6a: {  	_ =	shalt  }
0x6b: {  	_ =	shalt  }
0x6c: {  	_ =	shalt  }
0x6d: {  	_ =	shalt  }
0x6e: {  	_ =	shalt  }
0x6f: {  	_ =	shalt  }
0x70: {  	_ =	shalt  }
0x71: {  	_ =	shalt  }
0x72: {  	_ =	shalt  }
0x73: {  	_ =	shalt  }
0x74: {  	_ =	shalt  }
0x75: {  	_ =	shalt  }
0x76: {  	_ =	shalt  }
0x77: {  	_ =	shalt  }
0x78: {  	_ =	shalt  }
0x79: {  	_ =	shalt  }
0x7a: {  	_ =	shalt  }
0x7b: {  	_ =	shalt  }
0x7c: {  	_ =	shalt  }
0x7d: {  	_ =	shalt  }
0x7e: {  	_ =	shalt  }
0x7f: {  	_ =	shalt  }
0x80: {  	_ =	shalt  }
0x81: {  	_ =	shalt  }
0x82: {  	_ =	shalt  }
0x83: {  	_ =	shalt  }
0x84: {  	_ =	shalt  }
0x85: {  	_ =	shalt  }
0x86: {  	_ =	shalt  }
0x87: {  	_ =	shalt  }
.Lfunc_end0:
.L_simem_size_0:
called_computation_lowered:
.L_overlay_start_0:
0x88: {  	s2 =	sld [smem:$0x3FD9]  }
0x89: {  	s3 =	sld [smem:$0x3FFE];
	_ =	sdelay $0x1  }
0x8a: {  	s1 =	srdreg.scid  }
0x8b: {  	s0 =	sand.u32 $0x1, s1  }
0x8c: {  	s17 =	sshll.u32 s0, $0xA;
	s2 =	sadd.s32 s3, s2  }
0x8d: {  	s2 =	sadd.s32 s2, s17  }
0x8e: {  	[smem:$0x3FC4] =	sst s2  }
0x8f: {  	_ = 	snop  }
0x90: {  	s2 =	sld [smem:$0x3FD0];
	(tm) =	ssettm $0x1  }
0x91: {  	s18 =	sld [smem:$0x3FFB];
	_ =	sdelay $0x3  }
0x92: {  	_ =	strace s18  }
0x93: {  	s3 =	sld [smem:$0x3FFC];
	_ =	sdelay $0x3  }
0x94: {  	_ =	strace s3  }
0x95: {  	s3 =	sld [smem:$0x3FFD];
	_ =	sdelay $0x3  }
0x96: {  	_ =	strace s3  }
0x97: {  	_ =	strace $0x8FFFFFFF  }
0x98: {  	s19 =	sld [smem:$0x3FDB];
	_ =	sdelay $0x1  }
0x99: {  	s4 =	simm.s32 $_scs_section_size  }
0x9a: {  	s5 =	simm.s32 $_size__tile_overlayer_lowered;
	s6 =	simm.s32 $_tile_overlayer_lowered  }
0x9b: {  	s22 =	simm.s32 $0x1BFF;
	s21 =	sshll.u32 s6, $0x1;
	s3 =	sadd.s32 s4, s19  }
0x9c: {  	s7 =	simm.s32 $0x0;
	s20 =	sshll.u32 s5, $0x1;
	s5 =	sadd.s32 s21, s3  }
0x9d: {  	[timem:s7], [sflag:s22] =	dma.local [hbm:s5], s20  }
0x9e: {  	_ =	swait.ge [sflag:s22], s20  }
0x9f: {  	s4 =	ssub.s32 $0x0, s20;
	[sflag:s22] =	ssyncset.done $0x0  }
0xa0: {  	[sflag:s22] =	ssyncadd.s32 s4;
	_ =	sdelay $0x1  }
0xa1: {  	s23 =	simm.s32 $0x1B8B  }
0xa2: {  	_ =	swait.ge [sflag:s23], $0x1  }
0xa3: {  	[sflag:s23] =	ssyncset.done $0x0  }
0xa4: {  	s25 =	simm.s32 $0x1B8E;
	s24 =	sld [smem:$0x3FFE];
	[sflag:s23] =	ssyncadd.s32 $0xFFFFFFFF  }
0xa5: {  	s26 =	simm.s32 $execute0_lowered;
	[smem:$0x3FD2] =	sst s25  }
0xa6: {  	s5 =	sshll.u32 s26, $0x1;
	_ =	strace $0x80000046;
	[dreg:$0x1] =	wrdreg $0xFFFFFFFF  }
0xa7: {  	s28 =	simm.s32 $_size_execute0_lowered;
	s3 =	sadd.s32 s3, s5;
	[dreg:$0x0] =	wrdreg $0x0  }
0xa8: {  	s5 =	sshll.u32 s28, $0x1;
	[dreg:$0x2] =	wrdreg s3  }
0xa9: {  	[dreg:$0x3] =	wrdreg s5  }
0xaa: {  	[dreg:$0x4] =	wrdreg $0xC0  }
0xab: {  	_ =	task [dreg:s7], $0x5FFFF  }
0xac: {  	[dreg:$0x1] =	wrdreg $0xFFFFFFFF  }
0xad: {  	[dreg:$0x0] =	wrdreg $0x60  }
0xae: {  	[dreg:$0x2] =	wrdreg s2  }
0xaf: {  	[dreg:$0x3] =	wrdreg s24  }
0xb0: {  	[dreg:$0x4] =	wrdreg $0x9  }
0xb1: {  	_ =	task.clear_ibuf [dreg:s7], $0x5FFFF;
	_ =	strace $0x90000046  }
0xb2: {  	s29 =	simm.s32 $0x9;
	_ =	strace $0x80000048  }
0xb3: {  	_ =	swait.ge [sflag:s29], $0x1  }
0xb4: {  	[sflag:s29] =	ssyncadd.s32 $0xFFFFFFFF  }
0xb5: {  	_ =	strace $0x90000048  }
0xb6: {  	_ =	sfence  }
0xb7: {  	s30 =	sld [smem:$0x0];
	_ =	sdelay $0x2  }
0xb8: {  	s31 =	sshll.u32 s1, $0xD;
	s1 =	sshrl.u32 s1, $0x2  }
0xb9: {  	s3 =	sand.u32 $0x4000, s31;
	s1 =	sadd.s32 s1, s30  }
0xba: {  	s0 =	sor.u32 s3, s0;
	s1 =	sshll.u32 s1, $0x11  }
0xbb: {  	s0 =	sor.u32 s1, s0  }
0xbc: {  	s0 =	sadd.s32 $0x8F2B, s0  }
0xbd: {  	[sflag:s0] =	ssyncadd.remote.s32 $0x1  }
0xbe: {  	_ =	sfence.sel $0xFFFF  }
0xbf: {  	[dreg:$0x0] =	wrdreg $0xFFFFFFFF;
	(pc) =	sbr.abs _section_cstart, $3  }
0xc0: {  	[dreg:$0x1] =	wrdreg $0xFFFFFFFF  }
0xc1: {  	_ =	task.clear_ibuf [dreg:s7], $0x2FFFF;
	_ =	strace $0x9FFFFFFF  }
0xc2: {  	(tm) =	ssettm $0x7FFFFFFF  }
0xc3: {  	_ =	shalt  }
tec
execute0_lowered:
.L_overlay_start_1:
0x0: {  	(tag) =	ssettag $0x1  }
0x1: {  	s4 =	rddreg [dreg:$0x0];
	s1 =	srdreg.scid  }
0x2: {  	s0 =	stileid.u32;
	s5 =	rddreg [dreg:$0x1];
	s2 =	simm.s32 $0x0;
	v0 =	vlaneseq.u32  }
0x3: {  	s9 =	simm.s32 $0x2;
	s3 =	sand.u32 $0x1, s1;
	s1 =	rddreg [dreg:$0x2];
	v17 =	vmul.u32 $0x5, v0  }
0x4: {  	s10 =	simm.s32 $0x1400;
	s6 =	sshll.u32 s0, $0x1;
	[smem:$0x7FF] =	sst s2  }
0x5: {  	s6 =	sor.u32 s3, s6;
	s7 =	ssub.s32 $0x2, s3;
	_ =	strace $0x80000047;
	v24 =	vadd.s32 $0x1, v17;
	[tilespmem:$0x1FFB0] =	vst v17  }
0x6: {  	s11 =	simm.s32 $0x3;
	s6 =	smul.u32 $0x140, s6;
	s8 =	sshrl.u32 s7, $0x1;
	v25 =	vadd.s32 $0x2, v17;
	[tilespmem:$0x1FFC0] =	vst v24  }
0x7: {  	s12 =	simm.s32 $0x0;
	s3 =	sadd.s32 $0x400, s5;
	v37 =	vadd.s32 $0x3, v17;
	s7 =	ssub.s32 s7, s8;
	[tilespmem:$0x1FFD0] =	vst v25  }
0x8: {  	v41 =	vadd.s32 $0x4, v17;
	s8 =	simm.s32 $0x1;
	[tilespmem:$0x1FFE0] =	vst v37;
	s5 =	sadd.s32 s6, s5;
	s4 =	sadd.s32 s4, s6  }
0x9: {  	[tilespmem:$0x1FFF0] =	vst v41;
	s6 =	smax.u32 s7, $0x1;
	s7 =	simm.s32 $0xA00;
	s5 =	sadd.s32 $0x600, s5  }
.LBB2_1:
0xa: {  	[tilespmem:s2], [sflag:$0x1] =	stream.linear.gather [hbm4b:s4+s2], $0xA00, $0x38;
	[tilespmem:$0x2800] =	vst v63  }
0xb: {  	_ = 	snop  }
0xc: {  	[tilespmem:s7], [sflag:$0x2] =	stream.linear.gather [hbm4b:s3+s2], $0xA00, $0x38;
	[tilespmem:$0x2800] =	vst v63  }
0xd: {  	s15 =	simm.s32 $0xF0;
	_ =	swait.ge [sflag:s8], $0xA00  }
0xe: {  	v1 =	vadd.s32 s15, v41;
	[sflag:s8] =	ssyncset.done $0x0  }
0xf: {  	v0 =	vadd.s32 s2, v17;
	s13 =	simm.s32 $0x50;
	[sflag:s8] =	ssyncadd.s32 $0xFFFFF600  }
0x10: {  	v4 =	vadd.s32 s13, v24;
	_ =	swait.ge [sflag:s9], $0xA00  }
0x11: {  	v2 =	vadd.s32 s15, v17;
	[sflag:s9] =	ssyncset.done $0x0  }
0x12: {  	v3 =	vadd.s32 s13, v17;
	[sflag:s9] =	ssyncadd.s32 $0xFFFFF600  }
0x13: {  	s14 =	simm.s32 $0xA0;
	v7 =	vadd.s32 s2, v24;
	v1 =	vld.idx.msk [tilespmem:v1+s2+$0x0], $0xffff  }
0x14: {  	v5 =	vadd.s32 s14, v17;
	v14 =	vld.idx.msk [tilespmem:v0+s2+$0x0], $0xffff  }
0x15: {  	v15 =	vld.idx.msk [tilespmem:v4+s2+$0x0], $0xffff;
	v4 =	vadd.s32 s14, v25  }
0x16: {  	v0 =	vadd.s32 s14, v24;
	v2 =	vld.idx.msk [tilespmem:v2+s2+$0x0], $0xffff  }
0x17: {  	v10 =	vld.idx.msk [tilespmem:v3+s2+$0x0], $0xffff  }
0x18: {  	v3 =	vadd.s32 s13, v25;
	v18 =	vld.idx.msk [tilespmem:v7+s2+$0x0], $0xffff;
	v7 =	vmul.u32 $0x5, v1  }
0x19: {  	v16 =	vld.idx.msk [tilespmem:v5+s2+$0x0], $0xffff;
	v5 =	vadd.s32 s2, v25  }
0x1a: {  	v13 =	vld.idx.msk [tilespmem:v4+s2+$0x0], $0xffff;
	v4 =	vadd.s32 $0x7D1, v7  }
0x1b: {  	v17 =	vld.idx.msk [tilespmem:v0+s2+$0x0], $0xffff;
	v0 =	vadd.s32 s15, v24  }
0x1c: {  	v6 =	vadd.s32 s15, v37  }
0x1d: {  	v19 =	vmul.u32 $0x5, v2;
	v2 =	vadd.s32 s15, v25;
	v20 =	vld.idx.msk [tilespmem:v3+s2+$0x0], $0xffff  }
0x1e: {  	v8 =	vld.idx.msk [tilespmem:v5+s2+$0x0], $0xffff  }
0x1f: {  	v3 =	vadd.s32 $0x7D0, v7;
	v1 =	vld.idx.msk [tilespmem:v4+s7+$0x0], $0xffff  }
0x20: {  	v5 =	vadd.s32 $0x7D2, v7;
	v0 =	vld.idx.msk [tilespmem:v0+s2+$0x0], $0xffff  }
0x21: {  	v6 =	vld.idx.msk [tilespmem:v6+s2+$0x0], $0xffff  }
0x22: {  	v2 =	vld.idx.msk [tilespmem:v2+s2+$0x0], $0xffff  }
0x23: {  	v21 =	vld.idx.msk [tilespmem:v19+s7+$0x0], $0xffff  }
0x24: {  	v3 =	vld.idx.msk [tilespmem:v3+s7+$0x0], $0xffff;
	[tilespmem:$0x1FF80] =	vst v1  }
0x25: {  	v4 =	vmul.u32 $0x5, v0;
	v0 =	vld.idx.msk [tilespmem:v5+s7+$0x0], $0xffff  }
0x26: {  	v11 =	vadd.s32 $0x7D3, v7;
	_ =	sdelay $0x3  }
0x27: {  	[tilespmem:$0x1FF90] =	vst v0  }
0x28: {  	v6 =	vmul.u32 $0x5, v6;
	v0 =	vld.idx.msk [tilespmem:v11+s7+$0x0], $0xffff  }
0x29: {  	v12 =	vadd.s32 $0x7D4, v7  }
0x2a: {  	v22 =	vadd.s32 $0x5DC, v6  }
0x2b: {  	v23 =	vadd.s32 $0x5DD, v6  }
0x2c: {  	v24 =	vadd.s32 $0x5DE, v6  }
0x2d: {  	v26 =	vmul.u32 $0x5, v2;
	v5 =	vadd.s32 $0x4, v19;
	[tilespmem:$0x1FFA0] =	vst v0  }
0x2e: {  	v25 =	vadd.s32 $0x1F4, v4;
	v11 =	vld.idx.msk [tilespmem:v12+s7+$0x0], $0xffff  }
0x2f: {  	v27 =	vadd.s32 $0x3E8, v26;
	v22 =	vld.idx.msk [tilespmem:v22+s7+$0x0], $0xffff  }
0x30: {  	v30 =	vadd.s32 $0x3EA, v26;
	v9 =	vld.idx.msk [tilespmem:v23+s7+$0x0], $0xffff  }
0x31: {  	v31 =	vadd.s32 $0x1, v19;
	v7 =	vld.idx.msk [tilespmem:v24+s7+$0x0], $0xffff  }
0x32: {  	v33 =	vadd.s32 $0x1F6, v4;
	v24 =	vld.idx.msk [tilespmem:v5+s7+$0x0], $0xffff  }
0x33: {  	v34 =	vadd.s32 s13, v37;
	v39 =	vmul.u32 $0x5, v10;
	v25 =	vld.idx.msk [tilespmem:v25+s7+$0x0], $0xffff  }
0x34: {  	v59 =	vadd.s32 s13, v41;
	v27 =	vld.idx.msk [tilespmem:v27+s7+$0x0], $0xffff  }
0x35: {  	v42 =	vadd.s32 $0x1, v39;
	v30 =	vld.idx.msk [tilespmem:v30+s7+$0x0], $0xffff  }
0x36: {  	v15 =	vmul.u32 $0x5, v15;
	v44 =	vadd.s32 $0x2, v39;
	v31 =	vld.idx.msk [tilespmem:v31+s7+$0x0], $0xffff  }
0x37: {  	v45 =	vadd.s32 $0x3, v39;
	v33 =	vld.idx.msk [tilespmem:v33+s7+$0x0], $0xffff  }
0x38: {  	v63 =	vadd.s32 $0x1F5, v15;
	v34 =	vld.idx.msk [tilespmem:v34+s2+$0x0], $0xffff  }
0x39: {  	v46 =	vadd.s32 $0x1F6, v15;
	v10 =	vld.idx.msk [tilespmem:v59+s2+$0x0], $0xffff  }
0x3a: {  	v16 =	vmul.u32 $0x5, v16;
	v47 =	vadd.s32 $0x1F7, v15;
	v42 =	vld.idx.msk [tilespmem:v42+s7+$0x0], $0xffff  }
0x3b: {  	v62 =	vadd.s32 $0x1F4, v15;
	v15 =	vadd.s32 $0x1F8, v15;
	v44 =	vld.idx.msk [tilespmem:v44+s7+$0x0], $0xffff  }
0x3c: {  	v48 =	vadd.s32 $0x1, v16;
	v45 =	vld.idx.msk [tilespmem:v45+s7+$0x0], $0xffff  }
0x3d: {  	v60 =	vadd.s32 s2, v41;
	v38 =	vadd.s32 s14, v41;
	v49 =	vadd.s32 $0x2, v16;
	v41 =	vld.idx.msk [tilespmem:v63+s7+$0x0], $0xffff  }
0x3e: {  	v50 =	vadd.s32 $0x3, v16;
	v17 =	vmul.u32 $0x5, v17;
	v46 =	vld.idx.msk [tilespmem:v46+s7+$0x0], $0xffff  }
0x3f: {  	v51 =	vadd.s32 $0x4, v16;
	v47 =	vld.idx.msk [tilespmem:v47+s7+$0x0], $0xffff  }
0x40: {  	v52 =	vadd.s32 $0x1F4, v17;
	v15 =	vld.idx.msk [tilespmem:v15+s7+$0x0], $0xffff  }
0x41: {  	v53 =	vadd.s32 $0x1F5, v17;
	v48 =	vld.idx.msk [tilespmem:v48+s7+$0x0], $0xffff  }
0x42: {  	v54 =	vadd.s32 $0x1F6, v17;
	v49 =	vld.idx.msk [tilespmem:v49+s7+$0x0], $0xffff  }
0x43: {  	v14 =	vmul.u32 $0x5, v14;
	v55 =	vadd.s32 $0x1F7, v17;
	v50 =	vld.idx.msk [tilespmem:v50+s7+$0x0], $0xffff  }
0x44: {  	v17 =	vadd.s32 $0x1F8, v17;
	v51 =	vld.idx.msk [tilespmem:v51+s7+$0x0], $0xffff  }
0x45: {  	v56 =	vadd.s32 $0x1, v14;
	v52 =	vld.idx.msk [tilespmem:v52+s7+$0x0], $0xffff  }
0x46: {  	v57 =	vadd.s32 $0x2, v14;
	v53 =	vld.idx.msk [tilespmem:v53+s7+$0x0], $0xffff  }
0x47: {  	v58 =	vadd.s32 $0x3, v14;
	v54 =	vld.idx.msk [tilespmem:v54+s7+$0x0], $0xffff  }
0x48: {  	v55 =	vld.idx.msk [tilespmem:v55+s7+$0x0], $0xffff  }
0x49: {  	v20 =	vmul.u32 $0x5, v20;
	v17 =	vld.idx.msk [tilespmem:v17+s7+$0x0], $0xffff  }
0x4a: {  	v56 =	vld.idx.msk [tilespmem:v56+s7+$0x0], $0xffff  }
0x4b: {  	v1 =	vadd.s32 $0x3E9, v20;
	v57 =	vld.idx.msk [tilespmem:v57+s7+$0x0], $0xffff  }
0x4c: {  	v2 =	vadd.s32 $0x3EA, v20;
	v58 =	vld.idx.msk [tilespmem:v58+s7+$0x0], $0xffff  }
0x4d: {  	v61 =	vadd.s32 $0x4, v39;
	v0 =	vadd.s32 $0x3E8, v20;
	v39 =	vld.idx.msk [tilespmem:v39+s7+$0x0], $0xffff  }
0x4e: {  	v12 =	vadd.s32 $0x1F8, v4;
	v16 =	vld.idx.msk [tilespmem:v16+s7+$0x0], $0xffff  }
0x4f: {  	v23 =	vadd.s32 $0x3EC, v26;
	v59 =	vadd.s32 $0x4, v14;
	v14 =	vld.idx.msk [tilespmem:v14+s7+$0x0], $0xffff  }
0x50: {  	v5 =	vadd.s32 $0x5DF, v6;
	v1 =	vld.idx.msk [tilespmem:v1+s7+$0x0], $0xffff  }
0x51: {  	v6 =	vadd.s32 $0x5E0, v6;
	v2 =	vld.idx.msk [tilespmem:v2+s7+$0x0], $0xffff  }
0x52: {  	v29 =	vadd.s32 $0x3E9, v26;
	v0 =	vld.idx.msk [tilespmem:v0+s7+$0x0], $0xffff  }
0x53: {  	v18 =	vmul.u32 $0x5, v18;
	v26 =	vadd.s32 $0x3EB, v26;
	v28 =	vld.idx.msk [tilespmem:v12+s7+$0x0], $0xffff  }
0x54: {  	v23 =	vld.idx.msk [tilespmem:v23+s7+$0x0], $0xffff  }
0x55: {  	v63 =	vadd.s32 $0x1F7, v18;
	v12 =	vld.idx.msk [tilespmem:v5+s7+$0x0], $0xffff  }
0x56: {  	v5 =	vadd.s32 $0x2, v19;
	v32 =	vld.idx.msk [tilespmem:v6+s7+$0x0], $0xffff  }
0x57: {  	v6 =	vadd.s32 $0x3, v19;
	v19 =	vld.idx.msk [tilespmem:v29+s7+$0x0], $0xffff  }
0x58: {  	v29 =	vadd.s32 $0x1F5, v4;
	v26 =	vld.idx.msk [tilespmem:v26+s7+$0x0], $0xffff  }
0x59: {  	v4 =	vadd.s32 $0x1F7, v4;
	v59 =	vld.idx.msk [tilespmem:v59+s7+$0x0], $0xffff  }
0x5a: {  	v63 =	vld.idx.msk [tilespmem:v63+s7+$0x0], $0xffff;
	v21 =	vadd.f32 v25, v21  }
0x5b: {  	v13 =	vmul.u32 $0x5, v13;
	v25 =	vadd.s32 $0x3EB, v20;
	v20 =	vadd.s32 $0x3EC, v20;
	v35 =	vld.idx.msk [tilespmem:v5+s7+$0x0], $0xffff  }
0x5c: {  	v21 =	vadd.f32 v27, v21;
	v36 =	vld.idx.msk [tilespmem:v6+s7+$0x0], $0xffff  }
0x5d: {  	v27 =	vadd.s32 $0x3E8, v13;
	v29 =	vld.idx.msk [tilespmem:v29+s7+$0x0], $0xffff  }
0x5e: {  	v21 =	vadd.f32 v22, v21;
	v22 =	vadd.s32 $0x3EA, v13;
	v40 =	vld.idx.msk [tilespmem:v4+s7+$0x0], $0xffff  }
0x5f: {  	v5 =	vadd.s32 s14, v37;
	v6 =	vadd.s32 s2, v37;
	v37 =	vld.idx.msk [tilespmem:v61+s7+$0x0], $0xffff;
	v24 =	vadd.f32 v28, v24  }
0x60: {  	v20 =	vld.idx.msk [tilespmem:v20+s7+$0x0], $0xffff  }
0x61: {  	v23 =	vadd.f32 v23, v24;
	v24 =	vld.idx.msk [tilespmem:v25+s7+$0x0], $0xffff  }
0x62: {  	v27 =	vld.idx.msk [tilespmem:v27+s7+$0x0], $0xffff  }
0x63: {  	v22 =	vld.idx.msk [tilespmem:v22+s7+$0x0], $0xffff  }
0x64: {  	v61 =	vadd.s32 $0x1F5, v18;
	v43 =	vld.idx.msk [tilespmem:v5+s2+$0x0], $0xffff  }
0x65: {  	v28 =	vadd.s32 $0x3E9, v13;
	v4 =	vld.idx.msk [tilespmem:v6+s2+$0x0], $0xffff  }
0x66: {  	v6 =	vld.idx.msk [tilespmem:v38+s2+$0x0], $0xffff  }
0x67: {  	v5 =	vld.idx.msk [tilespmem:v60+s2+$0x0], $0xffff  }
0x68: {  	v25 =	vadd.s32 $0x3EB, v13;
	v38 =	vld.idx.msk [tilespmem:v62+s7+$0x0], $0xffff  }
0x69: {  	v8 =	vmul.u32 $0x5, v8;
	v13 =	vadd.s32 $0x3EC, v13;
	v61 =	vld.idx.msk [tilespmem:v61+s7+$0x0], $0xffff  }
0x6a: {  	v3 =	vadd.f32 v3, v21;
	v60 =	vadd.s32 $0x1F4, v18;
	v21 =	vadd.f32 v29, v31;
	v28 =	vld.idx.msk [tilespmem:v28+s7+$0x0], $0xffff  }
0x6b: {  	v62 =	vadd.s32 $0x1F6, v18;
	v29 =	vadd.f32 v33, v35;
	v33 =	vadd.f32 v47, v45;
	v45 =	vld [tilespmem:$0x1FF80]  }
0x6c: {  	v23 =	vadd.f32 v32, v23;
	v18 =	vadd.s32 $0x1F8, v18;
	v47 =	vld [tilespmem:$0x1FFA0]  }
0x6d: {  	v31 =	vadd.s32 $0x3E8, v8;
	v25 =	vld.idx.msk [tilespmem:v25+s7+$0x0], $0xffff  }
0x6e: {  	v11 =	vadd.f32 v11, v23;
	v23 =	vadd.f32 v40, v36;
	v13 =	vld.idx.msk [tilespmem:v13+s7+$0x0], $0xffff  }
0x6f: {  	v40 =	vadd.s32 $0x3E9, v8;
	v19 =	vadd.f32 v19, v21;
	v60 =	vld.idx.msk [tilespmem:v60+s7+$0x0], $0xffff  }
0x70: {  	v21 =	vadd.f32 v30, v29;
	v29 =	vadd.s32 $0x3EA, v8;
	v23 =	vadd.f32 v26, v23;
	v62 =	vld.idx.msk [tilespmem:v62+s7+$0x0], $0xffff  }
0x71: {  	v30 =	vmul.u32 $0x5, v34;
	v26 =	vadd.s32 $0x3EB, v8;
	v18 =	vld.idx.msk [tilespmem:v18+s7+$0x0], $0xffff  }
0x72: {  	v8 =	vadd.s32 $0x3EC, v8;
	v9 =	vadd.f32 v9, v19;
	v12 =	vadd.f32 v12, v23;
	v23 =	vld.idx.msk [tilespmem:v31+s7+$0x0], $0xffff  }
0x73: {  	v7 =	vadd.f32 v7, v21;
	v21 =	vadd.s32 $0x5DC, v30;
	v31 =	vadd.f32 v46, v44;
	v46 =	vld [tilespmem:$0x1FF90]  }
0x74: {  	v34 =	vadd.s32 $0x5DD, v30;
	v36 =	vmul.u32 $0x5, v43;
	v32 =	vld.idx.msk [tilespmem:v40+s7+$0x0], $0xffff  }
0x75: {  	v17 =	vadd.f32 v17, v51;
	v35 =	vadd.f32 v45, v9;
	v9 =	vadd.s32 $0x5DE, v30;
	v29 =	vld.idx.msk [tilespmem:v29+s7+$0x0], $0xffff  }
0x76: {  	v19 =	vadd.f32 v41, v42;
	v42 =	vadd.f32 v55, v50;
	v43 =	vadd.s32 $0x5DC, v36;
	v26 =	vld.idx.msk [tilespmem:v26+s7+$0x0], $0xffff  }
0x77: {  	v55 =	vadd.f32 v61, v56;
	v4 =	vmul.u32 $0x5, v4;
	v56 =	vadd.s32 $0x5DD, v36;
	v8 =	vld.idx.msk [tilespmem:v8+s7+$0x0], $0xffff  }
0x78: {  	v16 =	vadd.f32 v52, v16;
	v15 =	vadd.f32 v15, v37;
	v51 =	vadd.s32 $0x5DF, v36;
	v21 =	vld.idx.msk [tilespmem:v21+s7+$0x0], $0xffff  }
0x79: {  	v10 =	vmul.u32 $0x5, v10;
	v24 =	vadd.f32 v24, v33;
	v52 =	vadd.s32 $0x5DC, v4;
	v34 =	vld.idx.msk [tilespmem:v34+s7+$0x0], $0xffff  }
0x7a: {  	v15 =	vadd.f32 v20, v15;
	v1 =	vadd.f32 v1, v19;
	v19 =	vadd.s32 $0x5DD, v4;
	v9 =	vld.idx.msk [tilespmem:v9+s7+$0x0], $0xffff  }
0x7b: {  	v41 =	vadd.f32 v54, v49;
	v38 =	vadd.f32 v38, v39;
	v20 =	vadd.s32 $0x5DE, v4;
	v43 =	vld.idx.msk [tilespmem:v43+s7+$0x0], $0xffff  }
0x7c: {  	v16 =	vadd.f32 v27, v16;
	v40 =	vadd.f32 v53, v48;
	v27 =	vadd.s32 $0x5DF, v4;
	v53 =	vld.idx.msk [tilespmem:v56+s7+$0x0], $0xffff  }
0x7d: {  	v22 =	vadd.f32 v22, v41;
	v0 =	vadd.f32 v0, v38;
	v4 =	vadd.s32 $0x5E0, v4;
	v39 =	vld.idx.msk [tilespmem:v51+s7+$0x0], $0xffff  }
0x7e: {  	v37 =	vadd.f32 v46, v7;
	v7 =	vadd.s32 $0x5DF, v30;
	v30 =	vadd.s32 $0x5E0, v30;
	v38 =	vld.idx.msk [tilespmem:v52+s7+$0x0], $0xffff  }
0x7f: {  	v61 =	vadd.f32 v62, v57;
	v62 =	vadd.f32 v63, v58;
	v63 =	vadd.s32 $0x5DE, v36;
	v19 =	vld.idx.msk [tilespmem:v19+s7+$0x0], $0xffff  }
0x80: {  	v12 =	vadd.f32 v47, v12;
	v2 =	vadd.f32 v2, v31;
	v36 =	vadd.s32 $0x5E0, v36;
	v20 =	vld.idx.msk [tilespmem:v20+s7+$0x0], $0xffff  }
0x81: {  	v13 =	vadd.f32 v13, v17;
	v17 =	vadd.s32 $0x7D0, v10;
	v14 =	vadd.f32 v60, v14;
	v27 =	vld.idx.msk [tilespmem:v27+s7+$0x0], $0xffff  }
0x82: {  	v25 =	vadd.f32 v25, v42;
	v18 =	vadd.f32 v18, v59;
	v59 =	vld.idx.msk [tilespmem:v4+s7+$0x0], $0xffff  }
0x83: {  	v14 =	vadd.f32 v23, v14;
	v23 =	vadd.f32 v32, v55;
	v55 =	vadd.s32 $0x7D1, v10;
	v30 =	vld.idx.msk [tilespmem:v30+s7+$0x0], $0xffff  }
0x84: {  	v28 =	vadd.f32 v28, v40;
	v57 =	vmul.u32 $0x5, v6;
	v56 =	vadd.s32 $0x7D2, v10;
	v54 =	vld.idx.msk [tilespmem:v63+s7+$0x0], $0xffff  }
0x85: {  	v29 =	vadd.f32 v29, v61;
	v58 =	vadd.f32 v8, v18;
	v8 =	vadd.s32 $0x7D3, v10;
	v36 =	vld.idx.msk [tilespmem:v36+s7+$0x0], $0xffff  }
0x86: {  	v26 =	vadd.f32 v26, v62;
	v10 =	vadd.s32 $0x7D4, v10;
	v62 =	vld.idx.msk [tilespmem:v17+s7+$0x0], $0xffff;
	v21 =	vadd.f32 v21, v0  }
0x87: {  	v61 =	vadd.s32 $0x7D0, v57;
	v34 =	vadd.f32 v34, v1;
	v7 =	vld.idx.msk [tilespmem:v7+s7+$0x0], $0xffff;
	v60 =	vadd.f32 v9, v2  }
0x88: {  	v0 =	vadd.f32 v43, v16;
	v16 =	vld.idx.msk [tilespmem:v55+s7+$0x0], $0xffff;
	v2 =	vadd.f32 v30, v15;
	v15 =	vadd.s32 $0x7D1, v57  }
0x89: {  	s13 =	simm.s32 $0x1E20;
	s14 =	simm.s32 $0x30;
	v4 =	vadd.f32 v53, v28;
	v28 =	vld.idx.msk [tilespmem:v56+s7+$0x0], $0xffff;
	v1 =	vadd.f32 v54, v22;
	v22 =	vadd.s32 $0x7D2, v57  }
0x8a: {  	s30 =	sand.u32 $0x1F0, s14;
	[tilespmem:s13+$0x10] =	vst v3;
	v6 =	vadd.f32 v39, v25;
	v25 =	vld.idx.msk [tilespmem:v8+s7+$0x0], $0xffff;
	v3 =	vadd.f32 v36, v13;
	v13 =	vadd.s32 $0x7D3, v57  }
0x8b: {  	[tilespmem:s30+$0x2600] =	vst v11;
	v63 =	vadd.s32 $0x7D4, v57;
	v9 =	vadd.f32 v38, v14;
	v18 =	vld.idx.msk [tilespmem:v10+s7+$0x0], $0xffff;
	v8 =	vadd.f32 v27, v26  }
0x8c: {  	[tilespmem:s30+$0x2000] =	vst v35;
	v26 =	vmul.u32 $0x5, v5;
	v24 =	vadd.f32 v7, v24;
	v7 =	vadd.f32 v19, v23;
	v19 =	vld.idx.msk [tilespmem:v61+s7+$0x0], $0xffff  }
0x8d: {  	s31 =	simm.s32 $0x0;
	[tilespmem:s30+$0x2400] =	vst v12;
	v17 =	vadd.f32 v59, v58;
	v11 =	vadd.f32 v62, v21;
	v5 =	vld.idx.msk [tilespmem:v15+s7+$0x0], $0xffff  }
0x8e: {  	s16 =	simm.s32 $0x10;
	s17 =	simm.s32 $0x20;
	s18 =	sand.u32 $0x1C0, s31;
	[tilespmem:s30+$0x2200] =	vst v37;
	v10 =	vadd.f32 v20, v29;
	v27 =	vadd.s32 $0x7D0, v26;
	v12 =	vadd.f32 v16, v34;
	v20 =	vld.idx.msk [tilespmem:v22+s7+$0x0], $0xffff  }
0x8f: {  	s20 =	sand.u32 $0x1D0, s16;
	s19 =	sand.u32 $0x1E0, s17;
	[tilespmem:s13+$0xFFFFFFF0] =	vst v11;
	v14 =	vadd.s32 $0x7D1, v26;
	v37 =	vadd.s32 $0x7D3, v26;
	v39 =	vadd.s32 $0x7D4, v26;
	v21 =	vld.idx.msk [tilespmem:v13+s7+$0x0], $0xffff  }
0x90: {  	s16 =	simm.s32 $0x0;
	s17 =	simm.s32 $0x140;
	s15 =	simm.s32 $0x1E20;
	v16 =	vadd.f32 v28, v60;
	v23 =	vadd.f32 v25, v24;
	[tilespmem:s20+$0x2000] =	vst v12;
	v13 =	vadd.s32 $0x7D2, v26;
	v22 =	vld.idx.msk [tilespmem:v63+s7+$0x0], $0xffff  }
.LBB2_2:
0x91: {  	v11 =	vld [tilespmem:$0x1FFB0]  }
0x92: {  	v42 =	vld [tilespmem:$0x1FFF0]  }
0x93: {  	v40 =	vld [tilespmem:$0x1FFC0]  }
0x94: {  	v41 =	vld [tilespmem:$0x1FFD0]  }
0x95: {  	v27 =	vld.idx.msk [tilespmem:v27+s7+$0x0], $0xffff  }
0x96: {  	s21 =	sadd.s32 $0xF0, s17;
	v31 =	vld.idx.msk [tilespmem:v14+s7+$0x0], $0xffff;
	v24 =	vadd.s32 s17, v11  }
0x97: {  	v34 =	vld.idx.msk [tilespmem:v13+s7+$0x0], $0xffff;
	v30 =	vadd.s32 s21, v42  }
0x98: {  	s22 =	sadd.s32 $0x50, s17;
	v37 =	vld.idx.msk [tilespmem:v37+s7+$0x0], $0xffff;
	v33 =	vadd.s32 s21, v11  }
0x99: {  	s23 =	sadd.s32 $0xA0, s17;
	v38 =	vld.idx.msk [tilespmem:v39+s7+$0x0], $0xffff;
	v28 =	vadd.s32 s22, v11  }
0x9a: {  	[tilespmem:s20+$0x2400] =	vst v23;
	v29 =	vadd.s32 s22, v40;
	v23 =	vadd.s32 s23, v11;
	v11 =	vld [tilespmem:$0x1FFE0]  }
0x9b: {  	v2 =	vadd.f32 v18, v2;
	v24 =	vld.idx.msk [tilespmem:v24+s2+$0x0], $0xffff  }
0x9c: {  	[tilespmem:s20+$0x2200] =	vst v16;
	v0 =	vadd.f32 v19, v0;
	v35 =	vadd.s32 s22, v41;
	v18 =	vld.idx.msk [tilespmem:v30+s2+$0x0], $0xffff  }
0x9d: {  	v4 =	vadd.f32 v5, v4;
	v12 =	vadd.s32 s22, v42;
	[tilespmem:s20+$0x2600] =	vst v2;
	v19 =	vld.idx.msk [tilespmem:v33+s2+$0x0], $0xffff  }
0x9e: {  	v32 =	vadd.s32 s23, v40;
	v2 =	vadd.f32 v21, v6;
	[tilespmem:s15+$0x0] =	vst v0;
	v6 =	vld.idx.msk [tilespmem:v28+s2+$0x0], $0xffff  }
0x9f: {  	v25 =	vadd.s32 s17, v40;
	[tilespmem:s19+$0x2000] =	vst v4;
	v0 =	vld.idx.msk [tilespmem:v29+s2+$0x0], $0xffff  }
0xa0: {  	v1 =	vadd.f32 v20, v1;
	v36 =	vadd.s32 s23, v41;
	v14 =	vadd.s32 s17, v42;
	v4 =	vld.idx.msk [tilespmem:v23+s2+$0x0], $0xffff  }
0xa1: {  	[tilespmem:$0x1FE80] =	vst v14;
	v33 =	vadd.s32 s21, v11;
	v23 =	vld.idx.msk [tilespmem:v35+s2+$0x0], $0xffff  }
0xa2: {  	v3 =	vadd.f32 v22, v3;
	v14 =	vadd.s32 s23, v42;
	[tilespmem:s19+$0x2200] =	vst v1;
	v12 =	vld.idx.msk [tilespmem:v12+s2+$0x0], $0xffff  }
0xa3: {  	v9 =	vadd.f32 v27, v9;
	v21 =	vadd.s32 s21, v40;
	v1 =	vld.idx.msk [tilespmem:v32+s2+$0x0], $0xffff;
	[tilespmem:s19+$0x2400] =	vst v2  }
0xa4: {  	v26 =	vadd.s32 s17, v41;
	v7 =	vadd.f32 v31, v7;
	[tilespmem:s19+$0x2600] =	vst v3;
	v3 =	vld.idx.msk [tilespmem:v25+s2+$0x0], $0xffff  }
0xa5: {  	v20 =	vadd.f32 v34, v10;
	v13 =	vadd.s32 s17, v11;
	[tilespmem:s15+$0xFFFFFFE0] =	vst v9;
	v28 =	vld.idx.msk [tilespmem:v36+s2+$0x0], $0xffff;
	v18 =	vmul.u32 $0x5, v18  }
0xa6: {  	v8 =	vadd.f32 v37, v8;
	[tilespmem:s18+$0x2000] =	vst v7;
	v2 =	vld.idx.msk [tilespmem:v33+s2+$0x0], $0xffff;
	v31 =	vmul.u32 $0x5, v19;
	v19 =	vadd.s32 s21, v41  }
0xa7: {  	v17 =	vadd.f32 v38, v17;
	[tilespmem:s18+$0x2200] =	vst v20;
	v14 =	vld.idx.msk [tilespmem:v14+s2+$0x0], $0xffff;
	v10 =	vmul.u32 $0x5, v24;
	v20 =	vadd.s32 $0x7D1, v18  }
0xa8: {  	[tilespmem:s18+$0x2400] =	vst v8;
	v0 =	vmul.u32 $0x5, v0;
	v7 =	vmul.u32 $0x5, v4;
	v4 =	vld.idx.msk [tilespmem:v21+s2+$0x0], $0xffff  }
0xa9: {  	v8 =	vld.idx.msk [tilespmem:v26+s2+$0x0], $0xffff;
	[tilespmem:s18+$0x2600] =	vst v17;
	v5 =	vadd.s32 $0x1, v10;
	v22 =	vadd.s32 $0x7D0, v18;
	v21 =	vadd.s32 $0x7D2, v18  }
0xaa: {  	v13 =	vld.idx.msk [tilespmem:v13+s2+$0x0], $0xffff;
	v25 =	vadd.s32 $0x7D4, v18;
	v57 =	vadd.s32 $0x1F4, v0;
	[tilespmem:$0x1FEC0] =	vst v5;
	v5 =	vadd.s32 $0x2, v10  }
0xab: {  	v63 =	vadd.s32 $0x1, v31;
	[tilespmem:$0x1FED0] =	vst v5;
	v5 =	vadd.s32 $0x3, v10;
	v24 =	vld.idx.msk [tilespmem:v19+s2+$0x0], $0xffff;
	v2 =	vmul.u32 $0x5, v2  }
0xac: {  	v52 =	vadd.s32 $0x1F5, v0;
	v53 =	vadd.s32 $0x1F6, v0;
	v51 =	vadd.s32 $0x1F7, v0;
	[tilespmem:$0x1FEE0] =	vst v5;
	v5 =	vld.idx.msk [tilespmem:v20+s7+$0x0], $0xffff  }
0xad: {  	v50 =	vadd.s32 $0x1F8, v0;
	v0 =	vmul.u32 $0x5, v4;
	v32 =	vld.idx.msk [tilespmem:v31+s7+$0x0], $0xffff;
	v4 =	vadd.s32 $0x5DE, v2  }
0xae: {  	v1 =	vmul.u32 $0x5, v1;
	v26 =	vadd.s32 $0x5DC, v2;
	v35 =	vld.idx.msk [tilespmem:v22+s7+$0x0], $0xffff  }
0xaf: {  	v22 =	vadd.s32 $0x5DD, v2;
	v60 =	vld.idx.msk [tilespmem:v25+s7+$0x0], $0xffff  }
0xb0: {  	v3 =	vmul.u32 $0x5, v3;
	v45 =	vadd.s32 $0x1F4, v1;
	v20 =	vadd.s32 $0x4, v31;
	v63 =	vld.idx.msk [tilespmem:v63+s7+$0x0], $0xffff  }
0xb1: {  	v44 =	vadd.s32 $0x1F5, v1;
	v42 =	vadd.s32 $0x1F6, v1;
	v29 =	vadd.s32 $0x1F4, v0;
	[tilespmem:$0x1FE90] =	vst v5;
	v5 =	vld.idx.msk [tilespmem:v21+s7+$0x0], $0xffff  }
0xb2: {  	v19 =	vadd.s32 $0x7D3, v18;
	v30 =	vmul.u32 $0x5, v24;
	v59 =	vld.idx.msk [tilespmem:v4+s7+$0x0], $0xffff;
	v4 =	vadd.s32 $0x4, v10  }
0xb3: {  	v43 =	vadd.s32 $0x1F7, v1;
	v33 =	vadd.s32 $0x1F8, v0;
	v34 =	vld.idx.msk [tilespmem:v26+s7+$0x0], $0xffff;
	[tilespmem:$0x1FEF0] =	vst v4;
	v4 =	vadd.s32 $0x1F4, v3  }
0xb4: {  	v41 =	vadd.s32 $0x1F8, v1;
	v61 =	vld.idx.msk [tilespmem:v22+s7+$0x0], $0xffff;
	v1 =	vadd.s32 $0x3EC, v30;
	[tilespmem:$0x1FF00] =	vst v4;
	v4 =	vadd.s32 $0x1F5, v3  }
0xb5: {  	v26 =	vadd.s32 $0x3E8, v30;
	v17 =	vld.idx.msk [tilespmem:v20+s7+$0x0], $0xffff;
	[tilespmem:$0x1FF10] =	vst v4;
	v4 =	vadd.s32 $0x1F6, v3  }
0xb6: {  	v36 =	vadd.s32 $0x5DF, v2;
	v37 =	vld.idx.msk [tilespmem:v29+s7+$0x0], $0xffff;
	v29 =	vmul.u32 $0x5, v23;
	[tilespmem:$0x1FF20] =	vst v4  }
0xb7: {  	v40 =	vadd.s32 $0x3EA, v30;
	v4 =	vadd.s32 $0x1F7, v3;
	v3 =	vadd.s32 $0x1F8, v3;
	[tilespmem:$0x1FEA0] =	vst v5;
	v5 =	vld.idx.msk [tilespmem:v19+s7+$0x0], $0xffff  }
0xb8: {  	v62 =	vadd.s32 $0x3EB, v30;
	[tilespmem:$0x1FF40] =	vst v3;
	v3 =	vld.idx.msk [tilespmem:v33+s7+$0x0], $0xffff  }
0xb9: {  	v9 =	vmul.u32 $0x5, v6;
	v2 =	vadd.s32 $0x5E0, v2;
	[tilespmem:$0x1FF30] =	vst v4;
	v6 =	vld.idx.msk [tilespmem:v1+s7+$0x0], $0xffff;
	v1 =	vadd.s32 $0x3E9, v29  }
0xba: {  	v15 =	vadd.s32 s22, v11;
	v33 =	vadd.s32 $0x3E9, v30;
	v39 =	vld.idx.msk [tilespmem:v26+s7+$0x0], $0xffff;
	[tilespmem:$0x1FF50] =	vst v1;
	v1 =	vadd.s32 $0x3EA, v29  }
0xbb: {  	v16 =	vadd.s32 s23, v11;
	v11 =	vld.idx.msk [tilespmem:v36+s7+$0x0], $0xffff;
	v4 =	vadd.s32 $0x1F5, v0;
	[tilespmem:$0x1FF60] =	vst v1;
	v1 =	vadd.s32 $0x3EB, v29  }
0xbc: {  	v54 =	vadd.s32 $0x1, v9;
	v38 =	vmul.u32 $0x5, v28;
	v40 =	vld.idx.msk [tilespmem:v40+s7+$0x0], $0xffff;
	[tilespmem:$0x1FF70] =	vst v1;
	v1 =	vadd.s32 $0x2, v31  }
0xbd: {  	v56 =	vadd.s32 $0x2, v9;
	v36 =	vadd.s32 $0x3, v31;
	v37 =	vadd.f32 v37, v32;
	v62 =	vld.idx.msk [tilespmem:v62+s7+$0x0], $0xffff  }
0xbe: {  	v8 =	vmul.u32 $0x5, v8;
	v28 =	vadd.s32 $0x3EA, v38;
	[tilespmem:$0x1FEB0] =	vst v5;
	v5 =	vld.idx.msk [tilespmem:v2+s7+$0x0], $0xffff;
	v3 =	vadd.f32 v3, v17  }
0xbf: {  	v33 =	vld.idx.msk [tilespmem:v33+s7+$0x0], $0xffff;
	v2 =	vadd.s32 $0x1F6, v0;
	v39 =	vadd.f32 v39, v37;
	v0 =	vadd.s32 $0x1F7, v0  }
0xc0: {  	v23 =	vadd.s32 $0x3EB, v38;
	v32 =	vadd.s32 $0x3E9, v38;
	v26 =	vadd.s32 $0x3EC, v38;
	v4 =	vld.idx.msk [tilespmem:v4+s7+$0x0], $0xffff  }
0xc1: {  	v31 =	vadd.s32 $0x3E8, v38;
	v3 =	vadd.f32 v6, v3;
	v38 =	vadd.f32 v34, v39;
	v6 =	vld.idx.msk [tilespmem:v1+s7+$0x0], $0xffff  }
0xc2: {  	v25 =	vadd.s32 $0x3EA, v8;
	v24 =	vadd.s32 $0x3E8, v8;
	v34 =	vadd.s32 $0x3E9, v8;
	v1 =	vld.idx.msk [tilespmem:v36+s7+$0x0], $0xffff  }
0xc3: {  	v36 =	vadd.s32 $0x3EB, v8;
	v38 =	vadd.f32 v35, v38;
	v35 =	vadd.s32 $0x3EC, v8;
	v8 =	vld.idx.msk [tilespmem:v15+s2+$0x0], $0xffff  }
0xc4: {  	v0 =	vld.idx.msk [tilespmem:v0+s7+$0x0], $0xffff  }
0xc5: {  	v49 =	vadd.s32 $0x1, v7;
	v15 =	vld.idx.msk [tilespmem:v54+s7+$0x0], $0xffff;
	v3 =	vadd.f32 v5, v3  }
0xc6: {  	v12 =	vmul.u32 $0x5, v12;
	v55 =	vadd.s32 $0x3, v9;
	v58 =	vadd.s32 $0x4, v9;
	v2 =	vld.idx.msk [tilespmem:v2+s7+$0x0], $0xffff  }
0xc7: {  	s14 =	sadd.s32 $0x40, s14;
	s15 =	sadd.s32 $0x40, s15;
	v46 =	vadd.s32 $0x2, v7;
	v47 =	vadd.s32 $0x3, v7;
	v5 =	vld [tilespmem:$0x1FE80];
	v3 =	vadd.f32 v60, v3  }
0xc8: {  	s30 =	sand.u32 $0x1F0, s14;
	v48 =	vadd.s32 $0x4, v7;
	v4 =	vadd.f32 v4, v63;
	[tilespmem:s15+$0x10] =	vst v38;
	v38 =	vld.idx.msk [tilespmem:v56+s7+$0x0], $0xffff;
	v8 =	vmul.u32 $0x5, v8  }
0xc9: {  	v14 =	vmul.u32 $0x5, v14;
	v13 =	vmul.u32 $0x5, v13;
	[tilespmem:s30+$0x2600] =	vst v3;
	v3 =	vld.idx.msk [tilespmem:v16+s2+$0x0], $0xffff;
	v0 =	vadd.f32 v0, v1  }
0xca: {  	v1 =	vadd.f32 v33, v4;
	v4 =	vld.idx.msk [tilespmem:v49+s7+$0x0], $0xffff;
	v16 =	vadd.s32 $0x5DC, v8;
	v17 =	vadd.s32 $0x5DD, v8  }
0xcb: {  	v18 =	vadd.s32 $0x5DE, v8;
	v19 =	vadd.s32 $0x5DF, v8;
	v20 =	vadd.s32 $0x5E0, v8;
	v8 =	vld.idx.msk [tilespmem:v57+s7+$0x0], $0xffff  }
0xcc: {  	v54 =	vadd.s32 $0x5DC, v13;
	v2 =	vadd.f32 v2, v6;
	v60 =	vadd.f32 v61, v1;
	v1 =	vld.idx.msk [tilespmem:v52+s7+$0x0], $0xffff  }
0xcd: {  	v56 =	vadd.s32 $0x7D2, v12;
	v49 =	vadd.s32 $0x7D0, v14;
	v37 =	vadd.f32 v62, v0;
	v0 =	vld.idx.msk [tilespmem:v53+s7+$0x0], $0xffff  }
0xce: {  	v57 =	vadd.s32 $0x7D3, v12;
	v33 =	vadd.f32 v40, v2;
	v52 =	vadd.s32 $0x5DF, v13;
	v2 =	vld.idx.msk [tilespmem:v50+s7+$0x0], $0xffff  }
0xcf: {  	v53 =	vadd.s32 $0x5E0, v13;
	v50 =	vadd.s32 $0x7D4, v12;
	v6 =	vld.idx.msk [tilespmem:v5+s2+$0x0], $0xffff;
	v40 =	vmul.u32 $0x5, v3  }
0xd0: {  	v5 =	vld.idx.msk [tilespmem:v58+s7+$0x0], $0xffff;
	v58 =	vadd.s32 $0x5DD, v13;
	v3 =	vadd.f32 v59, v33;
	v11 =	vadd.f32 v11, v37  }
0xd1: {  	v55 =	vld.idx.msk [tilespmem:v55+s7+$0x0], $0xffff;
	v21 =	vadd.s32 $0x5DC, v40;
	v22 =	vadd.s32 $0x5DD, v40;
	v62 =	vadd.s32 $0x5DE, v40  }
0xd2: {  	v63 =	vadd.s32 $0x5DF, v40;
	v61 =	vadd.s32 $0x5E0, v40;
	v40 =	vadd.s32 $0x5DE, v13;
	v13 =	vld.idx.msk [tilespmem:v51+s7+$0x0], $0xffff  }
0xd3: {  	v33 =	vadd.s32 $0x7D0, v12;
	v59 =	vadd.s32 $0x7D1, v12;
	v12 =	vld.idx.msk [tilespmem:v46+s7+$0x0], $0xffff;
	v46 =	vadd.s32 $0x7D2, v14  }
0xd4: {  	v51 =	vadd.s32 $0x7D1, v14;
	v1 =	vadd.f32 v1, v15;
	v15 =	vld.idx.msk [tilespmem:v47+s7+$0x0], $0xffff;
	v6 =	vmul.u32 $0x5, v6  }
0xd5: {  	v0 =	vadd.f32 v0, v38;
	v38 =	vld.idx.msk [tilespmem:v48+s7+$0x0], $0xffff;
	v47 =	vadd.s32 $0x7D3, v14;
	v48 =	vadd.s32 $0x7D4, v14  }
0xd6: {  	v27 =	vadd.s32 $0x7D0, v6;
	v14 =	vadd.s32 $0x7D1, v6;
	v37 =	vadd.s32 $0x7D3, v6  }
0xd7: {  	v39 =	vadd.s32 $0x7D4, v6;
	v55 =	vadd.f32 v13, v55;
	v13 =	vadd.s32 $0x7D2, v6;
	v6 =	vld.idx.msk [tilespmem:v42+s7+$0x0], $0xffff  }
0xd8: {  	v42 =	vld [tilespmem:$0x1FE90];
	_ =	sdelay $0x4  }
0xd9: {  	v42 =	vadd.f32 v42, v60;
	v60 =	vld [tilespmem:$0x1FEA0];
	_ =	sdelay $0x4  }
0xda: {  	v3 =	vadd.f32 v60, v3;
	v60 =	vld [tilespmem:$0x1FEB0];
	_ =	sdelay $0x2  }
0xdb: {  	v9 =	vld.idx.msk [tilespmem:v9+s7+$0x0], $0xffff  }
0xdc: {  	v7 =	vld.idx.msk [tilespmem:v7+s7+$0x0], $0xffff  }
0xdd: {  	v11 =	vadd.f32 v60, v11;
	v60 =	vld [tilespmem:$0x1FEC0]  }
0xde: {  	v45 =	vld.idx.msk [tilespmem:v45+s7+$0x0], $0xffff  }
0xdf: {  	v43 =	vld.idx.msk [tilespmem:v43+s7+$0x0], $0xffff  }
0xe0: {  	v41 =	vld.idx.msk [tilespmem:v41+s7+$0x0], $0xffff  }
0xe1: {  	v28 =	vld.idx.msk [tilespmem:v28+s7+$0x0], $0xffff  }
0xe2: {  	v10 =	vld.idx.msk [tilespmem:v10+s7+$0x0], $0xffff;
	v30 =	vadd.s32 $0x3E8, v29  }
0xe3: {  	v24 =	vld.idx.msk [tilespmem:v24+s7+$0x0], $0xffff  }
0xe4: {  	v23 =	vld.idx.msk [tilespmem:v23+s7+$0x0], $0xffff;
	v29 =	vadd.s32 $0x3EC, v29  }
0xe5: {  	[tilespmem:s30+$0x2000] =	vst v42;
	v42 =	vld.idx.msk [tilespmem:v60+s7+$0x0], $0xffff  }
0xe6: {  	v60 =	vld [tilespmem:$0x1FF10]  }
0xe7: {  	v30 =	vld.idx.msk [tilespmem:v30+s7+$0x0], $0xffff  }
0xe8: {  	v26 =	vld.idx.msk [tilespmem:v26+s7+$0x0], $0xffff  }
0xe9: {  	v29 =	vld.idx.msk [tilespmem:v29+s7+$0x0], $0xffff  }
0xea: {  	v8 =	vadd.f32 v8, v9;
	v9 =	vld [tilespmem:$0x1FF70]  }
0xeb: {  	v16 =	vld.idx.msk [tilespmem:v16+s7+$0x0], $0xffff  }
0xec: {  	v6 =	vadd.f32 v6, v12;
	v12 =	vld [tilespmem:$0x1FF00]  }
0xed: {  	[tilespmem:s30+$0x2400] =	vst v11;
	v11 =	vld [tilespmem:$0x1FEE0]  }
0xee: {  	v15 =	vadd.f32 v43, v15;
	v43 =	vld.idx.msk [tilespmem:v60+s7+$0x0], $0xffff  }
0xef: {  	v60 =	vld [tilespmem:$0x1FF30]  }
0xf0: {  	v17 =	vld.idx.msk [tilespmem:v17+s7+$0x0], $0xffff  }
0xf1: {  	v2 =	vadd.f32 v2, v5;
	v5 =	vld.idx.msk [tilespmem:v44+s7+$0x0], $0xffff  }
0xf2: {  	v44 =	vld [tilespmem:$0x1FF20]  }
0xf3: {  	[tilespmem:s30+$0x2200] =	vst v3;
	v3 =	vld [tilespmem:$0x1FED0]  }
0xf4: {  	v12 =	vld.idx.msk [tilespmem:v12+s7+$0x0], $0xffff  }
0xf5: {  	v18 =	vld.idx.msk [tilespmem:v18+s7+$0x0], $0xffff  }
0xf6: {  	v11 =	vld.idx.msk [tilespmem:v11+s7+$0x0], $0xffff  }
0xf7: {  	v60 =	vld.idx.msk [tilespmem:v60+s7+$0x0], $0xffff  }
0xf8: {  	v2 =	vadd.f32 v29, v2;
	v29 =	vld.idx.msk [tilespmem:v34+s7+$0x0], $0xffff  }
0xf9: {  	v10 =	vadd.f32 v12, v10;
	v12 =	vld.idx.msk [tilespmem:v31+s7+$0x0], $0xffff  }
0xfa: {  	v38 =	vadd.f32 v41, v38;
	v41 =	vld.idx.msk [tilespmem:v44+s7+$0x0], $0xffff  }
0xfb: {  	v8 =	vadd.f32 v30, v8;
	v3 =	vld.idx.msk [tilespmem:v3+s7+$0x0], $0xffff  }
0xfc: {  	v7 =	vadd.f32 v45, v7;
	v11 =	vadd.f32 v60, v11;
	v60 =	vld [tilespmem:$0x1FF50]  }
0xfd: {  	v16 =	vadd.f32 v16, v8;
	v8 =	vld.idx.msk [tilespmem:v22+s7+$0x0], $0xffff  }
0xfe: {  	v7 =	vadd.f32 v12, v7;
	v12 =	vld.idx.msk [tilespmem:v25+s7+$0x0], $0xffff  }
0xff: {  	v4 =	vadd.f32 v5, v4;
	v5 =	vld [tilespmem:$0x1FEF0]  }
0x100: {  	v9 =	vld.idx.msk [tilespmem:v9+s7+$0x0], $0xffff  }
0x101: {  	v44 =	vld [tilespmem:$0x1FF40];
	v3 =	vadd.f32 v41, v3  }
0x102: {  	v25 =	vld.idx.msk [tilespmem:v36+s7+$0x0], $0xffff  }
0x103: {  	v12 =	vadd.f32 v12, v3;
	v3 =	vld.idx.msk [tilespmem:v19+s7+$0x0], $0xffff  }
0x104: {  	v41 =	vld.idx.msk [tilespmem:v60+s7+$0x0], $0xffff  }
0x105: {  	v60 =	vld [tilespmem:$0x1FF60]  }
0x106: {  	v6 =	vadd.f32 v28, v6;
	v28 =	vld.idx.msk [tilespmem:v35+s7+$0x0], $0xffff  }
0x107: {  	v5 =	vld.idx.msk [tilespmem:v5+s7+$0x0], $0xffff  }
0x108: {  	v9 =	vadd.f32 v9, v55;
	v19 =	vld.idx.msk [tilespmem:v20+s7+$0x0], $0xffff  }
0x109: {  	v20 =	vld.idx.msk [tilespmem:v21+s7+$0x0], $0xffff;
	v1 =	vadd.f32 v41, v1  }
0x10a: {  	v11 =	vadd.f32 v25, v11;
	v25 =	vadd.f32 v3, v9;
	v3 =	vld.idx.msk [tilespmem:v61+s7+$0x0], $0xffff  }
0x10b: {  	v21 =	vadd.f32 v17, v1;
	v1 =	vld.idx.msk [tilespmem:v62+s7+$0x0], $0xffff  }
0x10c: {  	v17 =	vld.idx.msk [tilespmem:v63+s7+$0x0], $0xffff  }
0x10d: {  	v42 =	vadd.f32 v43, v42;
	v43 =	vld.idx.msk [tilespmem:v60+s7+$0x0], $0xffff  }
0x10e: {  	v60 =	vld.idx.msk [tilespmem:v32+s7+$0x0], $0xffff  }
0x10f: {  	v15 =	vadd.f32 v23, v15;
	v23 =	vadd.f32 v26, v38;
	v44 =	vld.idx.msk [tilespmem:v44+s7+$0x0], $0xffff  }
0x110: {  	v2 =	vadd.f32 v19, v2;
	v19 =	vld.idx.msk [tilespmem:v40+s7+$0x0], $0xffff  }
0x111: {  	v9 =	vld.idx.msk [tilespmem:v54+s7+$0x0], $0xffff;
	v3 =	vadd.f32 v3, v23  }
0x112: {  	v23 =	vld.idx.msk [tilespmem:v59+s7+$0x0], $0xffff;
	v1 =	vadd.f32 v1, v6;
	v0 =	vadd.f32 v43, v0  }
0x113: {  	v6 =	vadd.f32 v17, v15;
	v15 =	vld.idx.msk [tilespmem:v33+s7+$0x0], $0xffff;
	v4 =	vadd.f32 v60, v4  }
0x114: {  	v5 =	vadd.f32 v44, v5;
	v22 =	vadd.f32 v18, v0;
	v18 =	vld.idx.msk [tilespmem:v58+s7+$0x0], $0xffff  }
0x115: {  	v10 =	vadd.f32 v24, v10;
	v4 =	vadd.f32 v8, v4;
	v8 =	vld.idx.msk [tilespmem:v52+s7+$0x0], $0xffff  }
0x116: {  	v24 =	vadd.f32 v29, v42;
	v0 =	vadd.f32 v20, v7;
	v20 =	vld.idx.msk [tilespmem:v53+s7+$0x0], $0xffff  }
0x117: {  	v9 =	vadd.f32 v9, v10;
	v10 =	vadd.f32 v19, v12;
	v12 =	vld.idx.msk [tilespmem:v57+s7+$0x0], $0xffff  }
0x118: {  	s16 =	sadd.s32 $0x4, s16;
	v19 =	vld.idx.msk [tilespmem:v49+s7+$0x0], $0xffff  }
0x119: {  	p0 =	slt.u32 s16, $0x1C;
	v5 =	vadd.f32 v28, v5;
	v7 =	vadd.f32 v18, v24;
	v24 =	vld.idx.msk [tilespmem:v56+s7+$0x0], $0xffff  }
.Ltmp0:
0x11a: {  	v8 =	vadd.f32 v8, v11;
	v18 =	vld.idx.msk [tilespmem:v50+s7+$0x0], $0xffff;
	(pc) =	sbr.rel @p0 .LBB2_2-.Ltmp0, $4  }
0x11b: {  	v17 =	vadd.f32 v20, v5;
	v11 =	vadd.f32 v15, v16;
	v5 =	vld.idx.msk [tilespmem:v51+s7+$0x0], $0xffff  }
0x11c: {  	s29 =	sadd.s32 $0xFFFFFFE0, s14;
	v15 =	vadd.f32 v23, v21;
	v20 =	vld.idx.msk [tilespmem:v46+s7+$0x0], $0xffff  }
0x11d: {  	s28 =	sadd.s32 $0xFFFFFFD0, s14;
	s31 =	sadd.s32 $0xFFFFFFF0, s14;
	s20 =	sand.u32 $0x1D0, s29;
	v21 =	vld.idx.msk [tilespmem:v47+s7+$0x0], $0xffff;
	[tilespmem:s15+$0xFFFFFFF0] =	vst v11  }
0x11e: {  	s17 =	sadd.s32 $0x140, s17;
	s19 =	sand.u32 $0x1E0, s31;
	s18 =	sand.u32 $0x1C0, s28;
	v23 =	vadd.f32 v12, v25;
	[tilespmem:s20+$0x2000] =	vst v15;
	v16 =	vadd.f32 v24, v22;
	v22 =	vld.idx.msk [tilespmem:v48+s7+$0x0], $0xffff  }
0x11f: {  	v28 =	vld [tilespmem:$0x1FFF0]  }
0x120: {  	v26 =	vld [tilespmem:$0x1FFE0]  }
0x121: {  	v25 =	vld [tilespmem:$0x1FFD0]  }
0x122: {  	v24 =	vld [tilespmem:$0x1FFC0];
	v2 =	vadd.f32 v18, v2;
	[tilespmem:s20+$0x2200] =	vst v16  }
0x123: {  	v11 =	vld.idx.msk [tilespmem:v27+s7+$0x0], $0xffff;
	v0 =	vadd.f32 v19, v0;
	[tilespmem:s20+$0x2400] =	vst v23  }
0x124: {  	v12 =	vld.idx.msk [tilespmem:v14+s7+$0x0], $0xffff;
	v4 =	vadd.f32 v5, v4;
	[tilespmem:s20+$0x2600] =	vst v2  }
0x125: {  	v2 =	vld.idx.msk [tilespmem:v13+s7+$0x0], $0xffff;
	v1 =	vadd.f32 v20, v1;
	[tilespmem:s15+$0x0] =	vst v0  }
0x126: {  	v0 =	vld.idx.msk [tilespmem:v37+s7+$0x0], $0xffff;
	v5 =	vadd.f32 v21, v6;
	[tilespmem:s19+$0x2000] =	vst v4  }
0x127: {  	v4 =	vld.idx.msk [tilespmem:v39+s7+$0x0], $0xffff;
	v3 =	vadd.f32 v22, v3;
	[tilespmem:s19+$0x2200] =	vst v1  }
0x128: {  	v1 =	vadd.f32 v11, v9;
	[tilespmem:s19+$0x2400] =	vst v5  }
0x129: {  	v5 =	vadd.f32 v12, v7;
	[tilespmem:s19+$0x2600] =	vst v3  }
0x12a: {  	v2 =	vadd.f32 v2, v10;
	[tilespmem:s15+$0xFFFFFFE0] =	vst v1  }
0x12b: {  	v0 =	vadd.f32 v0, v8;
	[tilespmem:s18+$0x2000] =	vst v5  }
0x12c: {  	v1 =	vadd.f32 v4, v17;
	[tilespmem:s18+$0x2200] =	vst v2  }
0x12d: {  	[tilespmem:s18+$0x2400] =	vst v0  }
0x12e: {  	[tilespmem:s18+$0x2600] =	vst v1  }
0x12f: {  	v0 =	vld [tilespmem:s13+$0x10];
	_ =	sdelay $0x4  }
0x130: {  	v1 =	vld [tilespmem:s13+$0xFFFFFFF0];
	v0 =	vsub.f32 $0.0e+00, v0  }
0x131: {  	v2 =	vld [tilespmem:s13+$0x0]  }
0x132: {  	v3 =	vld [tilespmem:s13+$0xFFFFFFE0];
	v0 =	vmul.f32 $1.442695020e+00, v0  }
0x133: {  	s25 =	simm.s32 $0x1E60  }
0x134: {  	(erf) = vpow2.f32 v0;
	v0 =	vld [tilespmem:s25+$0x10]  }
0x135: {  	v1 =	vsub.f32 $0.0e+00, v1  }
0x136: {  	v2 =	vsub.f32 $0.0e+00, v2  }
0x137: {  	v3 =	vsub.f32 $0.0e+00, v3;
	v1 =	vmul.f32 $1.442695020e+00, v1  }
0x138: {  	v2 =	vmul.f32 $1.442695020e+00, v2  }
0x139: {  	v4 =	vld [tilespmem:s25+$0xFFFFFFF0];
	(erf) = vpow2.f32 v1;
	v1 =	vmul.f32 $1.442695020e+00, v3;
	v0 =	vsub.f32 $0.0e+00, v0  }
0x13a: {  	s14 =	simm.s32 $0x0;
	v5 =	vld [tilespmem:s25+$0x0];
	(erf) = vpow2.f32 v2  }
0x13b: {  	s30 =	simm.s32 $0x3;
	s16 =	simm.s32 $0x7;
	s14 =	sand.u32 $0x1C, s14;
	v2 =	vld [tilespmem:s25+$0xFFFFFFE0];
	v0 =	vmul.f32 $1.442695020e+00, v0  }
0x13c: {  	s17 =	simm.s32 $0x1EA0;
	s16 =	sand.u32 $0x1F, s16;
	s14 =	smul.u32 $0x50, s14;
	v17 =	vld [tilespmem:$0x1FFB0];
	(erf) = vpow2.f32 v1  }
0x13d: {  	s21 =	simm.s32 $0x6;
	s31 =	smul.u32 $0x50, s16;
	s15 =	sand.u32 $0x1F, s30;
	v6 =	vld [tilespmem:s17+$0xFFFFFFF0];
	v1 =	vpop (erf);
	(erf) = vpow2.f32 v0  }
0x13e: {  	s26 =	simm.s32 $0x2;
	s22 =	sand.u32 $0x1E, s21;
	s15 =	smul.u32 $0x50, s15;
	v3 =	vsub.f32 $0.0e+00, v4;
	v4 =	vld [tilespmem:s17+$0x10];
	v0 =	vadd.f32 $1.000000000e+00, v1  }
0x13f: {  	s29 =	sand.u32 $0x1E, s26;
	s16 =	sadd.s32 $0x0, s14;
	s14 =	smul.u32 $0x50, s22;
	v1 =	vsub.f32 $0.0e+00, v5  }
0x140: {  	s22 =	simm.s32 $0x1EE0;
	s20 =	sadd.s32 $0x0, s15;
	s13 =	smul.u32 $0x50, s29;
	v3 =	vmul.f32 $1.442695020e+00, v3;
	(erf) = vrcp.f32 v0;
	v0 =	vsub.f32 $0.0e+00, v2;
	v2 =	vld [tilespmem:s17+$0x0]  }
0x141: {  	v11 =	vld [tilespmem:s22+$0x0];
	v10 =	vadd.s32 s20, v17;
	v1 =	vmul.f32 $1.442695020e+00, v1  }
0x142: {  	s18 =	sadd.s32 $0x0, s13;
	s13 =	simm.s32 $0x4;
	v6 =	vsub.f32 $0.0e+00, v6;
	v7 =	vpop (erf);
	(erf) = vpow2.f32 v3;
	v0 =	vmul.f32 $1.442695020e+00, v0  }
0x143: {  	s21 =	simm.s32 $0x1;
	s24 =	sand.u32 $0x1C, s13;
	v4 =	vsub.f32 $0.0e+00, v4;
	v3 =	vld [tilespmem:s17+$0xFFFFFFE0];
	(erf) = vpow2.f32 v1;
	v1 =	vadd.f32 $1.000000000e+00, v7;
	v7 =	vpop (erf)  }
0x144: {  	s21 =	sand.u32 $0x1D, s21;
	s26 =	smul.u32 $0x50, s24;
	v8 =	vadd.s32 s18, v17;
	s25 =	simm.s32 $0xB;
	v7 =	vadd.f32 $1.000000000e+00, v7;
	(erf) = vpow2.f32 v0  }
0x145: {  	s28 =	simm.s32 $0x5;
	v9 =	vld [tilespmem:s22+$0xFFFFFFF0];
	s24 =	smul.u32 $0x50, s21;
	s29 =	sand.u32 $0x1F, s25;
	v0 =	vsub.f32 $0.0e+00, v2;
	v2 =	vpop (erf);
	(erf) = vrcp.f32 v1;
	v1 =	vmul.f32 $1.442695020e+00, v4  }
0x146: {  	s23 =	sadd.s32 $0x0, s31;
	v11 =	vsub.f32 $0.0e+00, v11;
	s25 =	simm.s32 $0xE;
	s19 =	smul.u32 $0x50, s29;
	v4 =	vmul.f32 $1.442695020e+00, v6;
	v6 =	vpop (erf);
	(erf) = vrcp.f32 v7  }
0x147: {  	s21 =	sadd.s32 $0x0, s26;
	s26 =	sadd.s32 $0x0, s24;
	s20 =	sand.u32 $0x1E, s25;
	v2 =	vadd.f32 $1.000000000e+00, v2;
	(erf) = vpow2.f32 v1;
	v1 =	vadd.f32 $1.000000000e+00, v6  }
0x148: {  	v13 =	vld [tilespmem:s22+$0x10];
	s19 =	sadd.s32 $0x0, s19;
	v5 =	vadd.s32 s23, v17;
	s17 =	sadd.s32 $0x0, s14;
	s14 =	simm.s32 $0x8;
	v3 =	vsub.f32 $0.0e+00, v3;
	v7 =	vadd.s32 s16, v17  }
0x149: {  	v14 =	vld [tilespmem:s22+$0xFFFFFFE0];
	s25 =	smul.u32 $0x50, s20;
	s23 =	simm.s32 $0xA;
	s31 =	sand.u32 $0x1C, s14;
	v12 =	vmul.f32 $1.442695020e+00, v0;
	v6 =	vadd.s32 s19, v17;
	(erf) = vrcp.f32 v2  }
0x14a: {  	s24 =	simm.s32 $0xC;
	s30 =	sand.u32 $0x1E, s23;
	s29 =	smul.u32 $0x50, s31;
	v2 =	vsub.f32 $0.0e+00, v9;
	v3 =	vmul.f32 $1.442695020e+00, v3;
	v0 =	vpop (erf);
	(erf) = vrcp.f32 v1  }
0x14b: {  	s31 =	simm.s32 $0xF;
	s19 =	smul.u32 $0x50, s30;
	s30 =	sand.u32 $0x1C, s24;
	v15 =	vmul.f32 $9.000000000e+00, v0;
	v0 =	vadd.s32 s26, v17;
	v1 =	vpop (erf);
	(erf) = vpow2.f32 v4  }
0x14c: {  	s15 =	simm.s32 $0x0;
	s16 =	smul.u32 $0x50, s30;
	s26 =	sand.u32 $0x1F, s31;
	v2 =	vmul.f32 $1.442695020e+00, v2;
	v4 =	vadd.f32 $1.000000000e+00, v1;
	v1 =	vpop (erf);
	(erf) = vpow2.f32 v12  }
0x14d: {  	s18 =	sadd.s32 $0x0, s25;
	s25 =	simm.s32 $0x1F20;
	s26 =	smul.u32 $0x50, s26;
	v12 =	vsub.f32 $0.0e+00, v13;
	v9 =	vadd.f32 $1.000000000e+00, v1;
	v16 =	vpop (erf);
	(erf) = vpow2.f32 v3  }
0x14e: {  	s23 =	simm.s32 $0x0;
	s22 =	sadd.s32 $0x0, s29;
	s20 =	sadd.s32 $0x0, s19;
	v3 =	vsub.f32 $0.0e+00, v14;
	v1 =	vmul.f32 $1.442695020e+00, v11;
	v13 =	vpop (erf);
	(erf) = vrcp.f32 v4  }
0x14f: {  	s19 =	simm.s32 $0x0;
	s16 =	sadd.s32 $0x0, s16;
	[tilespmem:v10+s10+$0x0] =	vst.idx.msk $0xffff, v15;
	s26 =	sadd.s32 $0x0, s26;
	v12 =	vmul.f32 $1.442695020e+00, v12;
	v10 =	vadd.f32 $1.000000000e+00, v16;
	v4 =	vmul.f32 $9.000000000e+00, v13;
	v11 =	vpop (erf)  }
.LBB2_4:
0x150: {  	s29 =	sadd.s32 $0x6, s24;
	v14 =	vadd.s32 s26, v17;
	s26 =	sand.u32 $0x1D, s28;
	s28 =	smov.u32 s13  }
0x151: {  	v13 =	vld [tilespmem:s25+$0xFFFFFFF0];
	v15 =	vpop (erf);
	(erf) = vrcp.f32 v9;
	v18 =	vmul.f32 $9.000000000e+00, v11;
	s13 =	smov.u32 s14;
	s14 =	smov.u32 s24;
	s24 =	sadd.s32 $0x4, s24  }
0x152: {  	s30 =	sshrl.u32 s24, $0x5;
	s29 =	sand.u32 $0x1E, s29;
	v11 =	vld [tilespmem:s25+$0x0];
	(erf) = vpow2.f32 v12;
	v12 =	vadd.f32 $1.000000000e+00, v15;
	s26 =	smul.u32 $0x50, s26;
	[tilespmem:v0+s10+$0x0] =	vst.idx.msk $0xffff, v4;
	v0 =	vpop (erf)  }
0x153: {  	s31 =	sand.u32 $0x1C, s24;
	p0 =	slt.u32 s24, $0x9C;
	s29 =	smul.u32 $0x50, s29;
	v4 =	vld [tilespmem:s25+$0x10];
	(erf) = vrcp.f32 v10;
	v10 =	vpop (erf);
	v15 =	vmul.f32 $9.000000000e+00, v0;
	[tilespmem:v8+s10+$0x0] =	vst.idx.msk $0xffff, v18  }
0x154: {  	s31 =	smul.u32 $0x50, s31;
	v8 =	vadd.s32 s17, v17;
	v16 =	vld [tilespmem:s25+$0xFFFFFFE0];
	v9 =	vpop (erf);
	(erf) = vrcp.f32 v12;
	s26 =	sadd.s32 s15, s26;
	v18 =	vmul.f32 $9.000000000e+00, v10;
	s15 =	smov.u32 s23  }
0x155: {  	s23 =	smov.u32 s19;
	s19 =	smov.u32 s30;
	s29 =	sadd.s32 s30, s29;
	(erf) = vpow2.f32 v2;
	v0 =	vadd.s32 s26, v17;
	[tilespmem:v7+s10+$0x0] =	vst.idx.msk $0xffff, v15;
	v7 =	vadd.s32 s21, v17  }
.Ltmp1:
0x156: {  	v3 =	vmul.f32 $1.442695020e+00, v3;
	s17 =	sadd.s32 $0x7, s14;
	s26 =	sadd.s32 s19, s31;
	v12 =	vadd.f32 $1.000000000e+00, v9;
	v2 =	vsub.f32 $0.0e+00, v13;
	v9 =	vpop (erf);
	[tilespmem:v5+s10+$0x0] =	vst.idx.msk $0xffff, v18;
	(pc) =	sbr.rel @p0 .LBB2_4-.Ltmp1, $4  }
0x157: {  	s21 =	sand.u32 $0x1F, s17;
	s17 =	smov.u32 s20;
	s20 =	smov.u32 s18;
	v13 =	vsub.f32 $0.0e+00, v11;
	(erf) = vpow2.f32 v1;
	v9 =	vadd.f32 $1.000000000e+00, v9;
	v10 =	vpop (erf)  }
0x158: {  	s30 =	smul.u32 $0x50, s21;
	s18 =	smov.u32 s29;
	s21 =	smov.u32 s22;
	v2 =	vmul.f32 $1.442695020e+00, v2;
	v4 =	vsub.f32 $0.0e+00, v4;
	(erf) = vpow2.f32 v3;
	v11 =	vpop (erf)  }
0x159: {  	v5 =	vmovc v6;
	v6 =	vmovc v14;
	s22 =	smov.u32 s16;
	s16 =	smov.u32 s26;
	v3 =	vsub.f32 $0.0e+00, v16;
	v1 =	vmul.f32 $1.442695020e+00, v13;
	(erf) = vrcp.f32 v12  }
0x15a: {  	s28 =	sadd.s32 $0x5, s28;
	s25 =	sadd.s32 $0x40, s25;
	s26 =	sadd.s32 s19, s30;
	v10 =	vadd.f32 $1.000000000e+00, v10;
	v12 =	vmul.f32 $1.442695020e+00, v4;
	v4 =	vmul.f32 $9.000000000e+00, v11;
	v11 =	vpop (erf)  }
0x15b: {  	v13 =	vpop (erf);
	(erf) = vrcp.f32 v9  }
0x15c: {  	(erf) = vpow2.f32 v12;
	v59 =	vadd.f32 $1.000000000e+00, v13  }
0x15d: {  	(erf) = vrcp.f32 v10  }
0x15e: {  	v60 =	vpop (erf);
	(erf) = vrcp.f32 v59  }
0x15f: {  	v62 =	vmul.f32 $1.442695020e+00, v3;
	v61 =	vpop (erf);
	(erf) = vpow2.f32 v2  }
0x160: {  	v63 =	vpop (erf);
	(erf) = vpow2.f32 v1  }
0x161: {  	v20 =	vpop (erf);
	(erf) = vpow2.f32 v62  }
0x162: {  	v21 =	vpop (erf)  }
0x163: {  	v22 =	vpop (erf)  }
0x164: {  	v23 =	vpop (erf)  }
0x165: {  	v3 =	vadd.f32 $1.000000000e+00, v63;
	v14 =	vpop (erf)  }
0x166: {  	s24 =	sand.u32 $0x1D, s28;
	v1 =	vadd.f32 $1.000000000e+00, v20;
	v15 =	vpop (erf)  }
0x167: {  	s24 =	smul.u32 $0x50, s24;
	v2 =	vadd.f32 $1.000000000e+00, v21;
	(erf) = vrcp.f32 v3;
	v29 =	vpop (erf)  }
0x168: {  	v11 =	vmul.f32 $9.000000000e+00, v11;
	v30 =	vadd.f32 $1.000000000e+00, v14;
	(erf) = vrcp.f32 v1;
	v31 =	vpop (erf)  }
0x169: {  	s13 =	sadd.s32 $0x5, s13;
	v36 =	vadd.s32 s17, v17;
	s15 =	sadd.s32 s15, s24;
	(erf) = vrcp.f32 v2;
	v32 =	vadd.f32 $1.000000000e+00, v31;
	v33 =	vpop (erf)  }
0x16a: {  	s13 =	sand.u32 $0x1D, s13;
	v16 =	vadd.s32 s15, v17;
	(erf) = vrcp.f32 v30;
	v34 =	vadd.f32 $1.000000000e+00, v33;
	v35 =	vpop (erf)  }
0x16b: {  	[tilespmem:v0+s10+$0x0] =	vst.idx.msk $0xffff, v4;
	v10 =	vmul.f32 $9.000000000e+00, v60;
	s13 =	smul.u32 $0x50, s13;
	(erf) = vrcp.f32 v32;
	v37 =	vadd.f32 $1.000000000e+00, v35  }
0x16c: {  	v39 =	vadd.s32 s21, v17;
	[tilespmem:v8+s10+$0x0] =	vst.idx.msk $0xffff, v11;
	v38 =	vmul.f32 $9.000000000e+00, v61;
	(erf) = vrcp.f32 v34  }
0x16d: {  	s14 =	sadd.s32 $0x5, s14;
	[tilespmem:v7+s10+$0x0] =	vst.idx.msk $0xffff, v10;
	s13 =	sadd.s32 s23, s13;
	v40 =	vmul.f32 $9.000000000e+00, v22;
	(erf) = vrcp.f32 v37  }
0x16e: {  	s31 =	sand.u32 $0x1D, s14;
	[tilespmem:v5+s10+$0x0] =	vst.idx.msk $0xffff, v38;
	v42 =	vadd.s32 s13, v17;
	v41 =	vmul.f32 $9.000000000e+00, v23  }
0x16f: {  	v44 =	vadd.s32 s20, v17;
	s13 =	smul.u32 $0x50, s31;
	[tilespmem:v16+s10+$0x0] =	vst.idx.msk $0xffff, v40;
	v43 =	vmul.f32 $9.000000000e+00, v15  }
0x170: {  	v46 =	vadd.s32 s22, v17;
	[tilespmem:v36+s10+$0x0] =	vst.idx.msk $0xffff, v41;
	v45 =	vmul.f32 $9.000000000e+00, v29;
	v47 =	vpop (erf)  }
0x171: {  	v48 =	vadd.s32 s26, v17;
	s13 =	sadd.s32 s19, s13;
	[tilespmem:v39+s10+$0x0] =	vst.idx.msk $0xffff, v43;
	v49 =	vmul.f32 $9.000000000e+00, v47;
	v50 =	vpop (erf)  }
0x172: {  	v53 =	vadd.s32 s13, v17;
	[tilespmem:v6+s10+$0x0] =	vst.idx.msk $0xffff, v45;
	v51 =	vmul.f32 $9.000000000e+00, v50;
	v52 =	vpop (erf)  }
0x173: {  	v55 =	vadd.s32 s18, v17;
	[tilespmem:v42+s10+$0x0] =	vst.idx.msk $0xffff, v49;
	v54 =	vpop (erf);
	v3 =	vmul.f32 $9.000000000e+00, v52  }
0x174: {  	v57 =	vadd.s32 s16, v17;
	[tilespmem:v44+s10+$0x0] =	vst.idx.msk $0xffff, v51;
	v56 =	vmul.f32 $9.000000000e+00, v54;
	v58 =	vpop (erf)  }
0x175: {  	[tilespmem:v46+s10+$0x0] =	vst.idx.msk $0xffff, v3;
	v59 =	vmul.f32 $9.000000000e+00, v58;
	v60 =	vpop (erf)  }
0x176: {  	[tilespmem:v48+s10+$0x0] =	vst.idx.msk $0xffff, v56;
	v61 =	vmul.f32 $9.000000000e+00, v60;
	v62 =	vpop (erf)  }
0x177: {  	s12 =	sadd.s32 $0x1, s12;
	[tilespmem:v53+s10+$0x0] =	vst.idx.msk $0xffff, v59;
	v63 =	vmul.f32 $9.000000000e+00, v62  }
0x178: {  	p0 =	sne.s32 s12, s6;
	[tilespmem:v55+s10+$0x0] =	vst.idx.msk $0xffff, v61  }
.Ltmp2:
0x179: {  	[tilespmem:v57+s10+$0x0] =	vst.idx.msk $0xffff, v63;
	(pc) =	sbr.rel @p0 .LBB2_1-.Ltmp2, $4  }
0x17a: {  	[hbm4b:s5+s2] =	stream.linear.scatter [tilespmem:s10], [sflag:$0x3], $0xA00, $0x38;
	[tilespmem:$0x2800] =	vst v63  }
0x17b: {  	_ =	swait.ge [sflag:s11], $0xA00  }
0x17c: {  	[sflag:s11] =	ssyncset.done $0x0  }
0x17d: {  	v41 =	vmov v28;
	v37 =	vmov v26;
	[sflag:s11] =	ssyncadd.s32 $0xFFFFF600  }
0x17e: {  	_ =	sfence.sel $0x180000  }
0x17f: {  	[bflag:$0x0] =	sbarrier.arrive $0xFFFF  }
0x180: {  	p0 =	sne.s32 s0, $0x0;
	_ =	strace $0x90000047  }
0x181: {  	s0 =	sadd.s32 @!p0 $0x100000, s1;
	[bflag:$0x2] =	sbarrier.arrive $0xFFFF  }
0x182: {  	[sflag:s0] =	ssyncadd.tile.s32 @!p0 $0x1;
	_ =	shalt  }
.Lfunc_end2:
_tile_overlayer_lowered:
.L_overlay_start_2:
0x183: {  	(tag) =	ssettag $0x2  }
0x184: {  	s0 =	rddreg [dreg:$0x0];
	s2 =	stileid.u32  }
0x185: {  	s1 =	rddreg [dreg:$0x1];
	p0 =	sne.s32 s2, $0x0  }
0x186: {  	s3 =	rddreg [dreg:$0x2];
	[bflag:$0x3] =	sbarrier.arrive $0xFFFF;
	s2 =	simm.s32 @!p0 $0x1C03  }
0x187: {  	[timem:s3], [sflag:s2] =	dma.local @!p0 [hbm:s0], s1  }
0x188: {  	s0 =	simm.s32 @!p0 $0x3  }
0x189: {  	_ =	swait.ge @!p0 [sflag:s0], s1  }
0x18a: {  	s1 =	ssub.s32 @!p0 $0x0, s1;
	[sflag:s0] =	ssyncset.done @!p0 $0x0  }
0x18b: {  	[sflag:s0] =	ssyncadd.s32 @!p0 s1  }
0x18c: {  	[bflag:$0x3] =	sbarrier.arrive $0xFFFF  }
0x18d: {  	_ =	shalt  }

</sc_bundles>
